<compile_context>
chip_gen: v7x
topology: tpu7x:2x2x1
jax: 0.10.2.dev20260603
libtpu: 0.0.44.dev20260713+nightly
codegen_flags: <defaults>
</compile_context>

<pallas_src>
import functools

import jax
import jax.numpy as jnp
from jax import lax
from jax.experimental import pallas as pl
from jax.experimental.pallas import tpu as pltpu
from jax.experimental.pallas import tpu_sc as plsc

B, N, E = 256, 128, 512
BC = 64
NCORE, NSUB = 2, 16
EPS = E // (NCORE * NSUB)


def _sc_build_c(zeros_hbm, eye_hbm, wb_hbm, i_hbm, j_hbm, c_out_hbm,
                wb_v, i_v, j_v, raw_v, upd_v, sem, c_sh):
    core = lax.axis_index("c")
    sid = lax.axis_index("s")

    rows = N // NSUB
    pltpu.sync_copy(zeros_hbm.at[pl.ds(sid * rows, rows)],
                    c_sh.at[pl.ds(sid * rows, rows)])

    base = (core * NSUB + sid) * EPS
    pltpu.sync_copy(wb_hbm.at[pl.ds(base, EPS)], wb_v)
    pltpu.sync_copy(i_hbm.at[pl.ds(base, EPS)], i_v)
    pltpu.sync_copy(j_hbm.at[pl.ds(base, EPS)], j_v)
    pltpu.async_copy(eye_hbm.at[j_v], raw_v, sem).wait()
    for e in range(EPS):
        w16 = wb_v[e, :]
        for cc in range(N // 16):
            upd_v[e, pl.ds(cc * 16, 16)] = raw_v[e, pl.ds(cc * 16, 16)] * w16
    plsc.subcore_barrier()
    pltpu.sync_copy(upd_v, c_sh.at[i_v], add=True)
    plsc.subcore_barrier()
    pltpu.sync_copy(c_sh.at[pl.ds(sid * rows, rows)],
                    c_out_hbm.at[core].at[pl.ds(sid * rows, rows)])


_build_c = functools.partial(
    pl.kernel,
    _sc_build_c,
    out_type=jax.ShapeDtypeStruct((NCORE, N, N), jnp.float32),
    mesh=plsc.VectorSubcoreMesh(core_axis_name="c", subcore_axis_name="s"),
    scratch_types=[
        pltpu.VMEM((EPS, 16), jnp.float32),
        pltpu.VMEM((EPS,), jnp.int32),
        pltpu.VMEM((EPS,), jnp.int32),
        pltpu.VMEM((EPS, N), jnp.float32),
        pltpu.VMEM((EPS, N), jnp.float32),
        pltpu.SemaphoreType.DMA,
        pltpu.VMEM_SHARED((N, N), jnp.float32),
    ],
)()


def _tc_k_body(p_ref, dhw_ref, derr_ref, out_ref, a_ref):
    step = pl.program_id(0)

    @pl.when(step == 0)
    def _init():
        a_hw = (dhw_ref[...] == 1.0).astype(jnp.float32)
        fid = jnp.maximum(1.0 - derr_ref[...], 0.0)
        a_ref[...] = a_hw * fid
        out_ref[...] = jnp.zeros_like(out_ref)

    p = p_ref[...]
    x = jax.lax.dot_general(
        p, a_ref[...], (((2,), (0,)), ((), ())),
        preferred_element_type=jnp.float32)
    s = jax.lax.dot_general(
        x, p, (((2,), (2,)), ((0,), (0,))),
        preferred_element_type=jnp.float32)
    out_ref[...] += jnp.sum(s, axis=0)


def _tc_combine_body(c_ref, k_ref, w_ref, out_ref):
    c = c_ref[0] + c_ref[1]
    total = jnp.sum(c * k_ref[...])
    sw = jnp.maximum(jnp.sum(w_ref[0, :]), 1e-8)
    out_ref[...] = jnp.reshape(-total / (B * sw), (1, 1))


def kernel(P, d_hw, d_error, circuit_edge_pairs, circuit_edge_weights):
    edges = circuit_edge_pairs.astype(jnp.int32)
    w_flat = circuit_edge_weights
    zeros = jnp.zeros((N, N), jnp.float32)
    eye = jnp.eye(N, dtype=jnp.float32)
    w_b = jnp.broadcast_to(w_flat[:, None], (E, 16))

    k = pl.pallas_call(
        _tc_k_body,
        grid=(B // BC,),
        in_specs=[
            pl.BlockSpec((BC, N, N), lambda b: (b, 0, 0)),
            pl.BlockSpec((N, N), lambda b: (0, 0)),
            pl.BlockSpec((N, N), lambda b: (0, 0)),
        ],
        out_specs=pl.BlockSpec((N, N), lambda b: (0, 0)),
        out_shape=jax.ShapeDtypeStruct((N, N), jnp.float32),
        scratch_shapes=[pltpu.VMEM((N, N), jnp.float32)],
    )(P, d_hw, d_error)

    c2 = _build_c(zeros, eye, w_b, edges[:, 0], edges[:, 1])

    out = pl.pallas_call(
        _tc_combine_body,
        in_specs=[
            pl.BlockSpec((NCORE, N, N), lambda: (0, 0, 0)),
            pl.BlockSpec((N, N), lambda: (0, 0)),
            pl.BlockSpec((1, E), lambda: (0, 0)),
        ],
        out_specs=pl.BlockSpec((1, 1), lambda: (0, 0)),
        out_shape=jax.ShapeDtypeStruct((1, 1), jnp.float32),
    )(c2, k, w_flat.reshape(1, E))
    return out.reshape(())

# --- scband reference (transcript-rebuilt; emitter-appended) ---
"""Pipeline reference for scband-adjacency-error-aware-loss-816043786443 (READ-ONLY COPY).

The authoritative reference and input builder live on the scoring server;
editing this copy changes nothing except your own understanding.
"""

import jax, jax.numpy as jnp
import numpy as np

B, N, E = 256, 128, 512

def setup_inputs(seed: int = 0) -> dict:
    key = jax.random.key(seed)
    k1, k2, k3, k4, k5 = jax.random.split(key, 5)
    P = jax.random.uniform(k1, (B, N, N), dtype=jnp.float32)
    d_hw = jax.random.randint(k2, (N, N), 0, 5).astype(jnp.float32)
    d_error = jax.random.uniform(k3, (N, N), dtype=jnp.float32)
    circuit_edge_pairs = jax.random.randint(k4, (E, 2), 0, N).astype(jnp.int64) if jax.config.read('jax_enable_x64') else jax.random.randint(k4, (E, 2), 0, N)
    circuit_edge_weights = jax.random.uniform(k5, (E,), dtype=jnp.float32)
    return {"P": P, "d_hw": d_hw, "d_error": d_error, "circuit_edge_pairs": circuit_edge_pairs, "circuit_edge_weights": circuit_edge_weights}

def reference(P, d_hw, d_error, circuit_edge_pairs, circuit_edge_weights):
    # A_hw = 1 where hop distance == 1 (directly connected hardware qubits)
    A_hw = (d_hw == 1.0).astype(jnp.float32)
    fidelity = jnp.clip(1.0 - d_error, 0.0, None)
    A_fid = A_hw * fidelity
    i = circuit_edge_pairs[:, 0]
    j = circuit_edge_pairs[:, 1]
    Pi = P[:, i, :]  # [B, E, N] gather of logical-qubit rows
    Pj = P[:, j, :]  # [B, E, N]
    # adj_score_be = sum_{p,q} P[b,i,p] * A_fid[p,q] * P[b,j,q]
    scores = jnp.einsum('bep,pq,beq->be', Pi, A_fid, Pj)
    w = circuit_edge_weights
    sample_weight = jnp.maximum(jnp.sum(w), 1e-08)
    sample_adj = jnp.sum(scores * w[None, :], axis=1) / sample_weight  # [B]
    # all B samples have non-empty pairs -> valid_samples = B
    loss = -jnp.sum(sample_adj) / B
    return loss

if __name__ == "__main__":
    import jax
    _d = setup_inputs()
    print(jax.jit(kernel)(*tuple(_d.values())))

</pallas_src>

<mosaic_0001>
#map = affine_map<(d0, d1) -> (0, 0)>
#map1 = affine_map<(d0, d1) -> (0)>
#map2 = affine_map<(d0, d1) -> (0, 0, 0)>
module attributes {stable_mosaic.version = 14 : i64} {
  func.func @_sc_build_c(%arg0: i32, %arg1: i32, %arg2: memref<128x128xf32, #tpu.memory_space<hbm>>, %arg3: memref<128x128xf32, #tpu.memory_space<hbm>>, %arg4: memref<512x16xf32, #tpu.memory_space<hbm>>, %arg5: memref<512xi32, #tpu.memory_space<hbm>>, %arg6: memref<512xi32, #tpu.memory_space<hbm>>, %arg7: memref<2x128x128xf32, #tpu.memory_space<hbm>>, %arg8: memref<16x16xf32, #tpu.memory_space<vmem>>, %arg9: memref<16xi32, #tpu.memory_space<vmem>>, %arg10: memref<16xi32, #tpu.memory_space<vmem>>, %arg11: memref<16x128xf32, #tpu.memory_space<vmem>>, %arg12: memref<16x128xf32, #tpu.memory_space<vmem>>, %arg13: memref<!tpu.dma_semaphore, #tpu.memory_space<semaphore_mem>>, %arg14: memref<128x128xf32, #tpu.memory_space<vmem_shared>>) attributes {dimension_semantics = [#tpu.dimension_semantics<core_parallel>, #tpu.dimension_semantics<subcore_parallel>], iteration_bounds = array<i64: 2, 16>, scalar_prefetch = 0 : i64, scratch_operands = 7 : i64, tpu.core_type = #tpu.core_type<sc_vector_subcore>, window_params = [{transform_indices = #map}, {transform_indices = #map}, {transform_indices = #map}, {transform_indices = #map1}, {transform_indices = #map1}, {transform_indices = #map2}]} {
    %mul3A = arith.constant 8 : i32
    %mul3A_0 = arith.muli %arg1, %mul3A : i32
    %mul3A_1 = arith.constant 8 : i32
    %mul3A_2 = arith.muli %arg1, %mul3A_1 : i32
    "tpu.region"() ({
      %run_scoped3A = tpu.sem_alloc : memref<!tpu.dma_semaphore, #tpu.memory_space<semaphore_mem>>
      %dma_start3A_1630 = arith.constant 0 : i32
      %dma_start3A_1631 = tpu.memref_slice %arg14[%mul3A_2, %dma_start3A_1630] : memref<128x128xf32, #tpu.memory_space<vmem_shared>> -> memref<8x128xf32, #tpu.memory_space<vmem_shared>>
      %dma_start3A_1632 = arith.constant 0 : i32
      %dma_start3A_1633 = tpu.memref_slice %arg2[%mul3A_0, %dma_start3A_1632] : memref<128x128xf32, #tpu.memory_space<hbm>> -> memref<8x128xf32, #tpu.memory_space<hbm>>
      tpu.enqueue_dma source(%dma_start3A_1633 : memref<8x128xf32, #tpu.memory_space<hbm>>) target(%dma_start3A_1631 : memref<8x128xf32, #tpu.memory_space<vmem_shared>>) target_semaphore(%run_scoped3A : memref<!tpu.dma_semaphore, #tpu.memory_space<semaphore_mem>>)
      %dma_wait3A_1634 = arith.constant 0 : i32
      %dma_wait3A_1635 = tpu.memref_slice %arg14[%mul3A_2, %dma_wait3A_1634] : memref<128x128xf32, #tpu.memory_space<vmem_shared>> -> memref<8x128xf32, #tpu.memory_space<vmem_shared>>
      %dma_wait3A_1636 = arith.constant 0 : i32
      %dma_wait3A_1637 = tpu.memref_slice %arg2[%mul3A_0, %dma_wait3A_1636] : memref<128x128xf32, #tpu.memory_space<hbm>> -> memref<8x128xf32, #tpu.memory_space<hbm>>
      tpu.wait_dma2 semaphore(%run_scoped3A : memref<!tpu.dma_semaphore, #tpu.memory_space<semaphore_mem>>) src(%dma_wait3A_1637 : memref<8x128xf32, #tpu.memory_space<hbm>>) dst(%dma_wait3A_1635 : memref<8x128xf32, #tpu.memory_space<vmem_shared>>)
      tpu.yield
    }) : () -> ()
    %mul3A_3 = arith.constant 16 : i32
    %mul3A_4 = arith.muli %arg0, %mul3A_3 : i32
    %add3A = arith.addi %mul3A_4, %arg1 : i32
    %mul3A_5 = arith.constant 16 : i32
    %mul3A_6 = arith.muli %add3A, %mul3A_5 : i32
    "tpu.region"() ({
      %run_scoped3A = tpu.sem_alloc : memref<!tpu.dma_semaphore, #tpu.memory_space<semaphore_mem>>
      %dma_start3A_1630 = arith.constant 0 : i32
      %dma_start3A_1631 = tpu.memref_slice %arg4[%mul3A_6, %dma_start3A_1630] : memref<512x16xf32, #tpu.memory_space<hbm>> -> memref<16x16xf32, #tpu.memory_space<hbm>>
      %dma_start3A_1632 = arith.constant 0 : i32
      %dma_start3A_1633 = tpu.memref_slice %arg4[%mul3A_6, %dma_start3A_1632] : memref<512x16xf32, #tpu.memory_space<hbm>> -> memref<16x16xf32, #tpu.memory_space<hbm>>
      tpu.enqueue_dma source(%dma_start3A_1633 : memref<16x16xf32, #tpu.memory_space<hbm>>) target(%arg8 : memref<16x16xf32, #tpu.memory_space<vmem>>) target_semaphore(%run_scoped3A : memref<!tpu.dma_semaphore, #tpu.memory_space<semaphore_mem>>)
      %dma_wait3A_1634 = arith.constant 0 : i32
      %dma_wait3A_1635 = tpu.memref_slice %arg4[%mul3A_6, %dma_wait3A_1634] : memref<512x16xf32, #tpu.memory_space<hbm>> -> memref<16x16xf32, #tpu.memory_space<hbm>>
      %dma_wait3A_1636 = arith.constant 0 : i32
      %dma_wait3A_1637 = tpu.memref_slice %arg4[%mul3A_6, %dma_wait3A_1636] : memref<512x16xf32, #tpu.memory_space<hbm>> -> memref<16x16xf32, #tpu.memory_space<hbm>>
      tpu.wait_dma2 semaphore(%run_scoped3A : memref<!tpu.dma_semaphore, #tpu.memory_space<semaphore_mem>>) src(%dma_wait3A_1637 : memref<16x16xf32, #tpu.memory_space<hbm>>) dst(%arg8 : memref<16x16xf32, #tpu.memory_space<vmem>>)
      tpu.yield
    }) : () -> ()
    "tpu.region"() ({
      %run_scoped3A = tpu.sem_alloc : memref<!tpu.dma_semaphore, #tpu.memory_space<semaphore_mem>>
      %dma_start3A_1630 = tpu.memref_slice %arg5[%mul3A_6] : memref<512xi32, #tpu.memory_space<hbm>> -> memref<16xi32, #tpu.memory_space<hbm>>
      %dma_start3A_1631 = tpu.memref_slice %arg5[%mul3A_6] : memref<512xi32, #tpu.memory_space<hbm>> -> memref<16xi32, #tpu.memory_space<hbm>>
      tpu.enqueue_dma source(%dma_start3A_1631 : memref<16xi32, #tpu.memory_space<hbm>>) target(%arg9 : memref<16xi32, #tpu.memory_space<vmem>>) target_semaphore(%run_scoped3A : memref<!tpu.dma_semaphore, #tpu.memory_space<semaphore_mem>>)
      %dma_wait3A_1632 = tpu.memref_slice %arg5[%mul3A_6] : memref<512xi32, #tpu.memory_space<hbm>> -> memref<16xi32, #tpu.memory_space<hbm>>
      %dma_wait3A_1633 = tpu.memref_slice %arg5[%mul3A_6] : memref<512xi32, #tpu.memory_space<hbm>> -> memref<16xi32, #tpu.memory_space<hbm>>
      tpu.wait_dma2 semaphore(%run_scoped3A : memref<!tpu.dma_semaphore, #tpu.memory_space<semaphore_mem>>) src(%dma_wait3A_1633 : memref<16xi32, #tpu.memory_space<hbm>>) dst(%arg9 : memref<16xi32, #tpu.memory_space<vmem>>)
      tpu.yield
    }) : () -> ()
    "tpu.region"() ({
      %run_scoped3A = tpu.sem_alloc : memref<!tpu.dma_semaphore, #tpu.memory_space<semaphore_mem>>
      %dma_start3A_1630 = tpu.memref_slice %arg6[%mul3A_6] : memref<512xi32, #tpu.memory_space<hbm>> -> memref<16xi32, #tpu.memory_space<hbm>>
      %dma_start3A_1631 = tpu.memref_slice %arg6[%mul3A_6] : memref<512xi32, #tpu.memory_space<hbm>> -> memref<16xi32, #tpu.memory_space<hbm>>
      tpu.enqueue_dma source(%dma_start3A_1631 : memref<16xi32, #tpu.memory_space<hbm>>) target(%arg10 : memref<16xi32, #tpu.memory_space<vmem>>) target_semaphore(%run_scoped3A : memref<!tpu.dma_semaphore, #tpu.memory_space<semaphore_mem>>)
      %dma_wait3A_1632 = tpu.memref_slice %arg6[%mul3A_6] : memref<512xi32, #tpu.memory_space<hbm>> -> memref<16xi32, #tpu.memory_space<hbm>>
      %dma_wait3A_1633 = tpu.memref_slice %arg6[%mul3A_6] : memref<512xi32, #tpu.memory_space<hbm>> -> memref<16xi32, #tpu.memory_space<hbm>>
      tpu.wait_dma2 semaphore(%run_scoped3A : memref<!tpu.dma_semaphore, #tpu.memory_space<semaphore_mem>>) src(%dma_wait3A_1633 : memref<16xi32, #tpu.memory_space<hbm>>) dst(%arg10 : memref<16xi32, #tpu.memory_space<vmem>>)
      tpu.yield
    }) : () -> ()
    %dma_start3A = arith.constant 0 : i32
    %dma_start3A_7 = arith.constant 0 : i32
    %dma_start3A_8 = tpu.memref_slice %arg3[%dma_start3A, %dma_start3A_7] : memref<128x128xf32, #tpu.memory_space<hbm>> -> memref<128x128xf32, #tpu.memory_space<hbm>>
    tpu.enqueue_indirect_dma source(%dma_start3A_8 : memref<128x128xf32, #tpu.memory_space<hbm>>) target(%arg11 : memref<16x128xf32, #tpu.memory_space<vmem>>) offsets(%arg10 : memref<16xi32, #tpu.memory_space<vmem>>) semaphore(%arg13 : memref<!tpu.dma_semaphore, #tpu.memory_space<semaphore_mem>>)
    %dma_wait3A = arith.constant 0 : i32
    %dma_wait3A_9 = arith.constant 0 : i32
    %dma_wait3A_10 = tpu.memref_slice %arg3[%dma_wait3A, %dma_wait3A_9] : memref<128x128xf32, #tpu.memory_space<hbm>> -> memref<128x128xf32, #tpu.memory_space<hbm>>
    tpu.wait_indirect_dma semaphore(%arg13 : memref<!tpu.dma_semaphore, #tpu.memory_space<semaphore_mem>>) src(%dma_wait3A_10 : memref<128x128xf32, #tpu.memory_space<hbm>>) dst(%arg11 : memref<16x128xf32, #tpu.memory_space<vmem>>)
    %get3A = arith.constant 0 : i32
    %get3A_11 = arith.index_cast %get3A : i32 to index
    %get3A_12 = arith.constant 0 : index
    %get3A_13 = tpu.vector_load %arg8[%get3A_11, %get3A_12] {strides = array<i32>} : memref<16x16xf32, #tpu.memory_space<vmem>>, vector<1x16xf32>,
    %get3A_14 = vector.shape_cast %get3A_13 : vector<1x16xf32> to vector<16xf32>
    %get3A_15 = arith.constant 0 : i32
    %get3A_16 = arith.index_cast %get3A_15 : i32 to index
    %get3A_17 = arith.constant 0 : index
    %get3A_18 = tpu.vector_load %arg11[%get3A_16, %get3A_17] {strides = array<i32>} : memref<16x128xf32, #tpu.memory_space<vmem>>, vector<1x16xf32>,
    %get3A_19 = vector.shape_cast %get3A_18 : vector<1x16xf32> to vector<16xf32>
    %mul3A_20 = arith.mulf %get3A_19, %get3A_14 : vector<16xf32>
    %swap3A = arith.constant 0 : i32
    %swap3A_21 = arith.index_cast %swap3A : i32 to index
    %swap3A_22 = arith.constant 0 : index
    %swap3A_23 = tpu.vector_load %arg12[%swap3A_21, %swap3A_22] {strides = array<i32>} : memref<16x128xf32, #tpu.memory_space<vmem>>, vector<1x16xf32>,
    %swap3A_24 = vector.shape_cast %swap3A_23 : vector<1x16xf32> to vector<16xf32>
    %swap3A_25 = vector.shape_cast %mul3A_20 : vector<16xf32> to vector<1x16xf32>
    tpu.vector_store %arg12[%swap3A_21, %swap3A_22], %swap3A_25 {strides = array<i32>} : memref<16x128xf32, #tpu.memory_space<vmem>>, vector<1x16xf32>,
    %get3A_26 = arith.constant 0 : i32
    %get3A_27 = arith.index_cast %get3A_26 : i32 to index
    %get3A_28 = arith.constant 16 : index
    %get3A_29 = tpu.vector_load %arg11[%get3A_27, %get3A_28] {strides = array<i32>} : memref<16x128xf32, #tpu.memory_space<vmem>>, vector<1x16xf32>,
    %get3A_30 = vector.shape_cast %get3A_29 : vector<1x16xf32> to vector<16xf32>
    %mul3A_31 = arith.mulf %get3A_30, %get3A_14 : vector<16xf32>
    %swap3A_32 = arith.constant 0 : i32
    %swap3A_33 = arith.index_cast %swap3A_32 : i32 to index
    %swap3A_34 = arith.constant 16 : index
    %swap3A_35 = tpu.vector_load %arg12[%swap3A_33, %swap3A_34] {strides = array<i32>} : memref<16x128xf32, #tpu.memory_space<vmem>>, vector<1x16xf32>,
    %swap3A_36 = vector.shape_cast %swap3A_35 : vector<1x16xf32> to vector<16xf32>
    %swap3A_37 = vector.shape_cast %mul3A_31 : vector<16xf32> to vector<1x16xf32>
    tpu.vector_store %arg12[%swap3A_33, %swap3A_34], %swap3A_37 {strides = array<i32>} : memref<16x128xf32, #tpu.memory_space<vmem>>, vector<1x16xf32>,
    %get3A_38 = arith.constant 0 : i32
    %get3A_39 = arith.index_cast %get3A_38 : i32 to index
    %get3A_40 = arith.constant 32 : index
    %get3A_41 = tpu.vector_load %arg11[%get3A_39, %get3A_40] {strides = array<i32>} : memref<16x128xf32, #tpu.memory_space<vmem>>, vector<1x16xf32>,
    %get3A_42 = vector.shape_cast %get3A_41 : vector<1x16xf32> to vector<16xf32>
    %mul3A_43 = arith.mulf %get3A_42, %get3A_14 : vector<16xf32>
    %swap3A_44 = arith.constant 0 : i32
    %swap3A_45 = arith.index_cast %swap3A_44 : i32 to index
    %swap3A_46 = arith.constant 32 : index
    %swap3A_47 = tpu.vector_load %arg12[%swap3A_45, %swap3A_46] {strides = array<i32>} : memref<16x128xf32, #tpu.memory_space<vmem>>, vector<1x16xf32>,
    %swap3A_48 = vector.shape_cast %swap3A_47 : vector<1x16xf32> to vector<16xf32>
    %swap3A_49 = vector.shape_cast %mul3A_43 : vector<16xf32> to vector<1x16xf32>
    tpu.vector_store %arg12[%swap3A_45, %swap3A_46], %swap3A_49 {strides = array<i32>} : memref<16x128xf32, #tpu.memory_space<vmem>>, vector<1x16xf32>,
    %get3A_50 = arith.constant 0 : i32
    %get3A_51 = arith.index_cast %get3A_50 : i32 to index
    %get3A_52 = arith.constant 48 : index
    %get3A_53 = tpu.vector_load %arg11[%get3A_51, %get3A_52] {strides = array<i32>} : memref<16x128xf32, #tpu.memory_space<vmem>>, vector<1x16xf32>,
    %get3A_54 = vector.shape_cast %get3A_53 : vector<1x16xf32> to vector<16xf32>
    %mul3A_55 = arith.mulf %get3A_54, %get3A_14 : vector<16xf32>
    %swap3A_56 = arith.constant 0 : i32
    %swap3A_57 = arith.index_cast %swap3A_56 : i32 to index
    %swap3A_58 = arith.constant 48 : index
    %swap3A_59 = tpu.vector_load %arg12[%swap3A_57, %swap3A_58] {strides = array<i32>} : memref<16x128xf32, #tpu.memory_space<vmem>>, vector<1x16xf32>,
    %swap3A_60 = vector.shape_cast %swap3A_59 : vector<1x16xf32> to vector<16xf32>
    %swap3A_61 = vector.shape_cast %mul3A_55 : vector<16xf32> to vector<1x16xf32>
    tpu.vector_store %arg12[%swap3A_57, %swap3A_58], %swap3A_61 {strides = array<i32>} : memref<16x128xf32, #tpu.memory_space<vmem>>, vector<1x16xf32>,
    %get3A_62 = arith.constant 0 : i32
    %get3A_63 = arith.index_cast %get3A_62 : i32 to index
    %get3A_64 = arith.constant 64 : index
    %get3A_65 = tpu.vector_load %arg11[%get3A_63, %get3A_64] {strides = array<i32>} : memref<16x128xf32, #tpu.memory_space<vmem>>, vector<1x16xf32>,
    %get3A_66 = vector.shape_cast %get3A_65 : vector<1x16xf32> to vector<16xf32>
    %mul3A_67 = arith.mulf %get3A_66, %get3A_14 : vector<16xf32>
    %swap3A_68 = arith.constant 0 : i32
    %swap3A_69 = arith.index_cast %swap3A_68 : i32 to index
    %swap3A_70 = arith.constant 64 : index
    %swap3A_71 = tpu.vector_load %arg12[%swap3A_69, %swap3A_70] {strides = array<i32>} : memref<16x128xf32, #tpu.memory_space<vmem>>, vector<1x16xf32>,
    %swap3A_72 = vector.shape_cast %swap3A_71 : vector<1x16xf32> to vector<16xf32>
    %swap3A_73 = vector.shape_cast %mul3A_67 : vector<16xf32> to vector<1x16xf32>
    tpu.vector_store %arg12[%swap3A_69, %swap3A_70], %swap3A_73 {strides = array<i32>} : memref<16x128xf32, #tpu.memory_space<vmem>>, vector<1x16xf32>,
    %get3A_74 = arith.constant 0 : i32
    %get3A_75 = arith.index_cast %get3A_74 : i32 to index
    %get3A_76 = arith.constant 80 : index
    %get3A_77 = tpu.vector_load %arg11[%get3A_75, %get3A_76] {strides = array<i32>} : memref<16x128xf32, #tpu.memory_space<vmem>>, vector<1x16xf32>,
    %get3A_78 = vector.shape_cast %get3A_77 : vector<1x16xf32> to vector<16xf32>
    %mul3A_79 = arith.mulf %get3A_78, %get3A_14 : vector<16xf32>
    %swap3A_80 = arith.constant 0 : i32
    %swap3A_81 = arith.index_cast %swap3A_80 : i32 to index
    %swap3A_82 = arith.constant 80 : index
    %swap3A_83 = tpu.vector_load %arg12[%swap3A_81, %swap3A_82] {strides = array<i32>} : memref<16x128xf32, #tpu.memory_space<vmem>>, vector<1x16xf32>,
    %swap3A_84 = vector.shape_cast %swap3A_83 : vector<1x16xf32> to vector<16xf32>
    %swap3A_85 = vector.shape_cast %mul3A_79 : vector<16xf32> to vector<1x16xf32>
    tpu.vector_store %arg12[%swap3A_81, %swap3A_82], %swap3A_85 {strides = array<i32>} : memref<16x128xf32, #tpu.memory_space<vmem>>, vector<1x16xf32>,
    %get3A_86 = arith.constant 0 : i32
    %get3A_87 = arith.index_cast %get3A_86 : i32 to index
    %get3A_88 = arith.constant 96 : index
    %get3A_89 = tpu.vector_load %arg11[%get3A_87, %get3A_88] {strides = array<i32>} : memref<16x128xf32, #tpu.memory_space<vmem>>, vector<1x16xf32>,
    %get3A_90 = vector.shape_cast %get3A_89 : vector<1x16xf32> to vector<16xf32>
    %mul3A_91 = arith.mulf %get3A_90, %get3A_14 : vector<16xf32>
    %swap3A_92 = arith.constant 0 : i32
    %swap3A_93 = arith.index_cast %swap3A_92 : i32 to index
    %swap3A_94 = arith.constant 96 : index
    %swap3A_95 = tpu.vector_load %arg12[%swap3A_93, %swap3A_94] {strides = array<i32>} : memref<16x128xf32, #tpu.memory_space<vmem>>, vector<1x16xf32>,
    %swap3A_96 = vector.shape_cast %swap3A_95 : vector<1x16xf32> to vector<16xf32>
    %swap3A_97 = vector.shape_cast %mul3A_91 : vector<16xf32> to vector<1x16xf32>
    tpu.vector_store %arg12[%swap3A_93, %swap3A_94], %swap3A_97 {strides = array<i32>} : memref<16x128xf32, #tpu.memory_space<vmem>>, vector<1x16xf32>,
    %get3A_98 = arith.constant 0 : i32
    %get3A_99 = arith.index_cast %get3A_98 : i32 to index
    %get3A_100 = arith.constant 112 : index
    %get3A_101 = tpu.vector_load %arg11[%get3A_99, %get3A_100] {strides = array<i32>} : memref<16x128xf32, #tpu.memory_space<vmem>>, vector<1x16xf32>,
    %get3A_102 = vector.shape_cast %get3A_101 : vector<1x16xf32> to vector<16xf32>
    %mul3A_103 = arith.mulf %get3A_102, %get3A_14 : vector<16xf32>
    %swap3A_104 = arith.constant 0 : i32
    %swap3A_105 = arith.index_cast %swap3A_104 : i32 to index
    %swap3A_106 = arith.constant 112 : index
    %swap3A_107 = tpu.vector_load %arg12[%swap3A_105, %swap3A_106] {strides = array<i32>} : memref<16x128xf32, #tpu.memory_space<vmem>>, vector<1x16xf32>,
    %swap3A_108 = vector.shape_cast %swap3A_107 : vector<1x16xf32> to vector<16xf32>
    %swap3A_109 = vector.shape_cast %mul3A_103 : vector<16xf32> to vector<1x16xf32>
    tpu.vector_store %arg12[%swap3A_105, %swap3A_106], %swap3A_109 {strides = array<i32>} : memref<16x128xf32, #tpu.memory_space<vmem>>, vector<1x16xf32>,
    %get3A_110 = arith.constant 1 : i32
    %get3A_111 = arith.index_cast %get3A_110 : i32 to index
    %get3A_112 = arith.constant 0 : index
    %get3A_113 = tpu.vector_load %arg8[%get3A_111, %get3A_112] {strides = array<i32>} : memref<16x16xf32, #tpu.memory_space<vmem>>, vector<1x16xf32>,
    %get3A_114 = vector.shape_cast %get3A_113 : vector<1x16xf32> to vector<16xf32>
    %get3A_115 = arith.constant 1 : i32
    %get3A_116 = arith.index_cast %get3A_115 : i32 to index
    %get3A_117 = arith.constant 0 : index
    %get3A_118 = tpu.vector_load %arg11[%get3A_116, %get3A_117] {strides = array<i32>} : memref<16x128xf32, #tpu.memory_space<vmem>>, vector<1x16xf32>,
    %get3A_119 = vector.shape_cast %get3A_118 : vector<1x16xf32> to vector<16xf32>
    %mul3A_120 = arith.mulf %get3A_119, %get3A_114 : vector<16xf32>
    %swap3A_121 = arith.constant 1 : i32
    %swap3A_122 = arith.index_cast %swap3A_121 : i32 to index
    %swap3A_123 = arith.constant 0 : index
    %swap3A_124 = tpu.vector_load %arg12[%swap3A_122, %swap3A_123] {strides = array<i32>} : memref<16x128xf32, #tpu.memory_space<vmem>>, vector<1x16xf32>,
    %swap3A_125 = vector.shape_cast %swap3A_124 : vector<1x16xf32> to vector<16xf32>
    %swap3A_126 = vector.shape_cast %mul3A_120 : vector<16xf32> to vector<1x16xf32>
    tpu.vector_store %arg12[%swap3A_122, %swap3A_123], %swap3A_126 {strides = array<i32>} : memref<16x128xf32, #tpu.memory_space<vmem>>, vector<1x16xf32>,
    %get3A_127 = arith.constant 1 : i32
    %get3A_128 = arith.index_cast %get3A_127 : i32 to index
    %get3A_129 = arith.constant 16 : index
    %get3A_130 = tpu.vector_load %arg11[%get3A_128, %get3A_129] {strides = array<i32>} : memref<16x128xf32, #tpu.memory_space<vmem>>, vector<1x16xf32>,
    %get3A_131 = vector.shape_cast %get3A_130 : vector<1x16xf32> to vector<16xf32>
    %mul3A_132 = arith.mulf %get3A_131, %get3A_114 : vector<16xf32>
    %swap3A_133 = arith.constant 1 : i32
    %swap3A_134 = arith.index_cast %swap3A_133 : i32 to index
    %swap3A_135 = arith.constant 16 : index
    %swap3A_136 = tpu.vector_load %arg12[%swap3A_134, %swap3A_135] {strides = array<i32>} : memref<16x128xf32, #tpu.memory_space<vmem>>, vector<1x16xf32>,
    %swap3A_137 = vector.shape_cast %swap3A_136 : vector<1x16xf32> to vector<16xf32>
    %swap3A_138 = vector.shape_cast %mul3A_132 : vector<16xf32> to vector<1x16xf32>
    tpu.vector_store %arg12[%swap3A_134, %swap3A_135], %swap3A_138 {strides = array<i32>} : memref<16x128xf32, #tpu.memory_space<vmem>>, vector<1x16xf32>,
    %get3A_139 = arith.constant 1 : i32
    %get3A_140 = arith.index_cast %get3A_139 : i32 to index
    %get3A_141 = arith.constant 32 : index
    %get3A_142 = tpu.vector_load %arg11[%get3A_140, %get3A_141] {strides = array<i32>} : memref<16x128xf32, #tpu.memory_space<vmem>>, vector<1x16xf32>,
    %get3A_143 = vector.shape_cast %get3A_142 : vector<1x16xf32> to vector<16xf32>
    %mul3A_144 = arith.mulf %get3A_143, %get3A_114 : vector<16xf32>
    %swap3A_145 = arith.constant 1 : i32
    %swap3A_146 = arith.index_cast %swap3A_145 : i32 to index
    %swap3A_147 = arith.constant 32 : index
    %swap3A_148 = tpu.vector_load %arg12[%swap3A_146, %swap3A_147] {strides = array<i32>} : memref<16x128xf32, #tpu.memory_space<vmem>>, vector<1x16xf32>,
    %swap3A_149 = vector.shape_cast %swap3A_148 : vector<1x16xf32> to vector<16xf32>
    %swap3A_150 = vector.shape_cast %mul3A_144 : vector<16xf32> to vector<1x16xf32>
    tpu.vector_store %arg12[%swap3A_146, %swap3A_147], %swap3A_150 {strides = array<i32>} : memref<16x128xf32, #tpu.memory_space<vmem>>, vector<1x16xf32>,
    %get3A_151 = arith.constant 1 : i32
    %get3A_152 = arith.index_cast %get3A_151 : i32 to index
    %get3A_153 = arith.constant 48 : index
    %get3A_154 = tpu.vector_load %arg11[%get3A_152, %get3A_153] {strides = array<i32>} : memref<16x128xf32, #tpu.memory_space<vmem>>, vector<1x16xf32>,
    %get3A_155 = vector.shape_cast %get3A_154 : vector<1x16xf32> to vector<16xf32>
    %mul3A_156 = arith.mulf %get3A_155, %get3A_114 : vector<16xf32>
    %swap3A_157 = arith.constant 1 : i32
    %swap3A_158 = arith.index_cast %swap3A_157 : i32 to index
    %swap3A_159 = arith.constant 48 : index
    %swap3A_160 = tpu.vector_load %arg12[%swap3A_158, %swap3A_159] {strides = array<i32>} : memref<16x128xf32, #tpu.memory_space<vmem>>, vector<1x16xf32>,
    %swap3A_161 = vector.shape_cast %swap3A_160 : vector<1x16xf32> to vector<16xf32>
    %swap3A_162 = vector.shape_cast %mul3A_156 : vector<16xf32> to vector<1x16xf32>
    tpu.vector_store %arg12[%swap3A_158, %swap3A_159], %swap3A_162 {strides = array<i32>} : memref<16x128xf32, #tpu.memory_space<vmem>>, vector<1x16xf32>,
    %get3A_163 = arith.constant 1 : i32
    %get3A_164 = arith.index_cast %get3A_163 : i32 to index
    %get3A_165 = arith.constant 64 : index
    %get3A_166 = tpu.vector_load %arg11[%get3A_164, %get3A_165] {strides = array<i32>} : memref<16x128xf32, #tpu.memory_space<vmem>>, vector<1x16xf32>,
    %get3A_167 = vector.shape_cast %get3A_166 : vector<1x16xf32> to vector<16xf32>
    %mul3A_168 = arith.mulf %get3A_167, %get3A_114 : vector<16xf32>
    %swap3A_169 = arith.constant 1 : i32
    %swap3A_170 = arith.index_cast %swap3A_169 : i32 to index
    %swap3A_171 = arith.constant 64 : index
    %swap3A_172 = tpu.vector_load %arg12[%swap3A_170, %swap3A_171] {strides = array<i32>} : memref<16x128xf32, #tpu.memory_space<vmem>>, vector<1x16xf32>,
    %swap3A_173 = vector.shape_cast %swap3A_172 : vector<1x16xf32> to vector<16xf32>
    %swap3A_174 = vector.shape_cast %mul3A_168 : vector<16xf32> to vector<1x16xf32>
    tpu.vector_store %arg12[%swap3A_170, %swap3A_171], %swap3A_174 {strides = array<i32>} : memref<16x128xf32, #tpu.memory_space<vmem>>, vector<1x16xf32>,
    %get3A_175 = arith.constant 1 : i32
    %get3A_176 = arith.index_cast %get3A_175 : i32 to index
    %get3A_177 = arith.constant 80 : index
    %get3A_178 = tpu.vector_load %arg11[%get3A_176, %get3A_177] {strides = array<i32>} : memref<16x128xf32, #tpu.memory_space<vmem>>, vector<1x16xf32>,
    %get3A_179 = vector.shape_cast %get3A_178 : vector<1x16xf32> to vector<16xf32>
    %mul3A_180 = arith.mulf %get3A_179, %get3A_114 : vector<16xf32>
    %swap3A_181 = arith.constant 1 : i32
    %swap3A_182 = arith.index_cast %swap3A_181 : i32 to index
    %swap3A_183 = arith.constant 80 : index
    %swap3A_184 = tpu.vector_load %arg12[%swap3A_182, %swap3A_183] {strides = array<i32>} : memref<16x128xf32, #tpu.memory_space<vmem>>, vector<1x16xf32>,
    %swap3A_185 = vector.shape_cast %swap3A_184 : vector<1x16xf32> to vector<16xf32>
    %swap3A_186 = vector.shape_cast %mul3A_180 : vector<16xf32> to vector<1x16xf32>
    tpu.vector_store %arg12[%swap3A_182, %swap3A_183], %swap3A_186 {strides = array<i32>} : memref<16x128xf32, #tpu.memory_space<vmem>>, vector<1x16xf32>,
    %get3A_187 = arith.constant 1 : i32
    %get3A_188 = arith.index_cast %get3A_187 : i32 to index
    %get3A_189 = arith.constant 96 : index
    %get3A_190 = tpu.vector_load %arg11[%get3A_188, %get3A_189] {strides = array<i32>} : memref<16x128xf32, #tpu.memory_space<vmem>>, vector<1x16xf32>,
    %get3A_191 = vector.shape_cast %get3A_190 : vector<1x16xf32> to vector<16xf32>
    %mul3A_192 = arith.mulf %get3A_191, %get3A_114 : vector<16xf32>
    %swap3A_193 = arith.constant 1 : i32
    %swap3A_194 = arith.index_cast %swap3A_193 : i32 to index
    %swap3A_195 = arith.constant 96 : index
    %swap3A_196 = tpu.vector_load %arg12[%swap3A_194, %swap3A_195] {strides = array<i32>} : memref<16x128xf32, #tpu.memory_space<vmem>>, vector<1x16xf32>,
    %swap3A_197 = vector.shape_cast %swap3A_196 : vector<1x16xf32> to vector<16xf32>
    %swap3A_198 = vector.shape_cast %mul3A_192 : vector<16xf32> to vector<1x16xf32>
    tpu.vector_store %arg12[%swap3A_194, %swap3A_195], %swap3A_198 {strides = array<i32>} : memref<16x128xf32, #tpu.memory_space<vmem>>, vector<1x16xf32>,
    %get3A_199 = arith.constant 1 : i32
    %get3A_200 = arith.index_cast %get3A_199 : i32 to index
    %get3A_201 = arith.constant 112 : index
    %get3A_202 = tpu.vector_load %arg11[%get3A_200, %get3A_201] {strides = array<i32>} : memref<16x128xf32, #tpu.memory_space<vmem>>, vector<1x16xf32>,
    %get3A_203 = vector.shape_cast %get3A_202 : vector<1x16xf32> to vector<16xf32>
    %mul3A_204 = arith.mulf %get3A_203, %get3A_114 : vector<16xf32>
    %swap3A_205 = arith.constant 1 : i32
    %swap3A_206 = arith.index_cast %swap3A_205 : i32 to index
    %swap3A_207 = arith.constant 112 : index
    %swap3A_208 = tpu.vector_load %arg12[%swap3A_206, %swap3A_207] {strides = array<i32>} : memref<16x128xf32, #tpu.memory_space<vmem>>, vector<1x16xf32>,
    %swap3A_209 = vector.shape_cast %swap3A_208 : vector<1x16xf32> to vector<16xf32>
    %swap3A_210 = vector.shape_cast %mul3A_204 : vector<16xf32> to vector<1x16xf32>
    tpu.vector_store %arg12[%swap3A_206, %swap3A_207], %swap3A_210 {strides = array<i32>} : memref<16x128xf32, #tpu.memory_space<vmem>>, vector<1x16xf32>,
    %get3A_211 = arith.constant 2 : i32
    %get3A_212 = arith.index_cast %get3A_211 : i32 to index
    %get3A_213 = arith.constant 0 : index
    %get3A_214 = tpu.vector_load %arg8[%get3A_212, %get3A_213] {strides = array<i32>} : memref<16x16xf32, #tpu.memory_space<vmem>>, vector<1x16xf32>,
    %get3A_215 = vector.shape_cast %get3A_214 : vector<1x16xf32> to vector<16xf32>
    %get3A_216 = arith.constant 2 : i32
    %get3A_217 = arith.index_cast %get3A_216 : i32 to index
    %get3A_218 = arith.constant 0 : index
    %get3A_219 = tpu.vector_load %arg11[%get3A_217, %get3A_218] {strides = array<i32>} : memref<16x128xf32, #tpu.memory_space<vmem>>, vector<1x16xf32>,
    %get3A_220 = vector.shape_cast %get3A_219 : vector<1x16xf32> to vector<16xf32>
    %mul3A_221 = arith.mulf %get3A_220, %get3A_215 : vector<16xf32>
    %swap3A_222 = arith.constant 2 : i32
    %swap3A_223 = arith.index_cast %swap3A_222 : i32 to index
    %swap3A_224 = arith.constant 0 : index
    %swap3A_225 = tpu.vector_load %arg12[%swap3A_223, %swap3A_224] {strides = array<i32>} : memref<16x128xf32, #tpu.memory_space<vmem>>, vector<1x16xf32>,
    %swap3A_226 = vector.shape_cast %swap3A_225 : vector<1x16xf32> to vector<16xf32>
    %swap3A_227 = vector.shape_cast %mul3A_221 : vector<16xf32> to vector<1x16xf32>
    tpu.vector_store %arg12[%swap3A_223, %swap3A_224], %swap3A_227 {strides = array<i32>} : memref<16x128xf32, #tpu.memory_space<vmem>>, vector<1x16xf32>,
    %get3A_228 = arith.constant 2 : i32
    %get3A_229 = arith.index_cast %get3A_228 : i32 to index
    %get3A_230 = arith.constant 16 : index
    %get3A_231 = tpu.vector_load %arg11[%get3A_229, %get3A_230] {strides = array<i32>} : memref<16x128xf32, #tpu.memory_space<vmem>>, vector<1x16xf32>,
    %get3A_232 = vector.shape_cast %get3A_231 : vector<1x16xf32> to vector<16xf32>
    %mul3A_233 = arith.mulf %get3A_232, %get3A_215 : vector<16xf32>
    %swap3A_234 = arith.constant 2 : i32
    %swap3A_235 = arith.index_cast %swap3A_234 : i32 to index
    %swap3A_236 = arith.constant 16 : index
    %swap3A_237 = tpu.vector_load %arg12[%swap3A_235, %swap3A_236] {strides = array<i32>} : memref<16x128xf32, #tpu.memory_space<vmem>>, vector<1x16xf32>,
    %swap3A_238 = vector.shape_cast %swap3A_237 : vector<1x16xf32> to vector<16xf32>
    %swap3A_239 = vector.shape_cast %mul3A_233 : vector<16xf32> to vector<1x16xf32>
    tpu.vector_store %arg12[%swap3A_235, %swap3A_236], %swap3A_239 {strides = array<i32>} : memref<16x128xf32, #tpu.memory_space<vmem>>, vector<1x16xf32>,
    %get3A_240 = arith.constant 2 : i32
    %get3A_241 = arith.index_cast %get3A_240 : i32 to index
    %get3A_242 = arith.constant 32 : index
    %get3A_243 = tpu.vector_load %arg11[%get3A_241, %get3A_242] {strides = array<i32>} : memref<16x128xf32, #tpu.memory_space<vmem>>, vector<1x16xf32>,
    %get3A_244 = vector.shape_cast %get3A_243 : vector<1x16xf32> to vector<16xf32>
    %mul3A_245 = arith.mulf %get3A_244, %get3A_215 : vector<16xf32>
    %swap3A_246 = arith.constant 2 : i32
    %swap3A_247 = arith.index_cast %swap3A_246 : i32 to index
    %swap3A_248 = arith.constant 32 : index
    %swap3A_249 = tpu.vector_load %arg12[%swap3A_247, %swap3A_248] {strides = array<i32>} : memref<16x128xf32, #tpu.memory_space<vmem>>, vector<1x16xf32>,
    %swap3A_250 = vector.shape_cast %swap3A_249 : vector<1x16xf32> to vector<16xf32>
    %swap3A_251 = vector.shape_cast %mul3A_245 : vector<16xf32> to vector<1x16xf32>
    tpu.vector_store %arg12[%swap3A_247, %swap3A_248], %swap3A_251 {strides = array<i32>} : memref<16x128xf32, #tpu.memory_space<vmem>>, vector<1x16xf32>,
    %get3A_252 = arith.constant 2 : i32
    %get3A_253 = arith.index_cast %get3A_252 : i32 to index
    %get3A_254 = arith.constant 48 : index
    %get3A_255 = tpu.vector_load %arg11[%get3A_253, %get3A_254] {strides = array<i32>} : memref<16x128xf32, #tpu.memory_space<vmem>>, vector<1x16xf32>,
    %get3A_256 = vector.shape_cast %get3A_255 : vector<1x16xf32> to vector<16xf32>
    %mul3A_257 = arith.mulf %get3A_256, %get3A_215 : vector<16xf32>
    %swap3A_258 = arith.constant 2 : i32
    %swap3A_259 = arith.index_cast %swap3A_258 : i32 to index
    %swap3A_260 = arith.constant 48 : index
    %swap3A_261 = tpu.vector_load %arg12[%swap3A_259, %swap3A_260] {strides = array<i32>} : memref<16x128xf32, #tpu.memory_space<vmem>>, vector<1x16xf32>,
    %swap3A_262 = vector.shape_cast %swap3A_261 : vector<1x16xf32> to vector<16xf32>
    %swap3A_263 = vector.shape_cast %mul3A_257 : vector<16xf32> to vector<1x16xf32>
    tpu.vector_store %arg12[%swap3A_259, %swap3A_260], %swap3A_263 {strides = array<i32>} : memref<16x128xf32, #tpu.memory_space<vmem>>, vector<1x16xf32>,
    %get3A_264 = arith.constant 2 : i32
    %get3A_265 = arith.index_cast %get3A_264 : i32 to index
    %get3A_266 = arith.constant 64 : index
    %get3A_267 = tpu.vector_load %arg11[%get3A_265, %get3A_266] {strides = array<i32>} : memref<16x128xf32, #tpu.memory_space<vmem>>, vector<1x16xf32>,
    %get3A_268 = vector.shape_cast %get3A_267 : vector<1x16xf32> to vector<16xf32>
    %mul3A_269 = arith.mulf %get3A_268, %get3A_215 : vector<16xf32>
    %swap3A_270 = arith.constant 2 : i32
    %swap3A_271 = arith.index_cast %swap3A_270 : i32 to index
    %swap3A_272 = arith.constant 64 : index
    %swap3A_273 = tpu.vector_load %arg12[%swap3A_271, %swap3A_272] {strides = array<i32>} : memref<16x128xf32, #tpu.memory_space<vmem>>, vector<1x16xf32>,
    %swap3A_274 = vector.shape_cast %swap3A_273 : vector<1x16xf32> to vector<16xf32>
    %swap3A_275 = vector.shape_cast %mul3A_269 : vector<16xf32> to vector<1x16xf32>
    tpu.vector_store %arg12[%swap3A_271, %swap3A_272], %swap3A_275 {strides = array<i32>} : memref<16x128xf32, #tpu.memory_space<vmem>>, vector<1x16xf32>,
    %get3A_276 = arith.constant 2 : i32
    %get3A_277 = arith.index_cast %get3A_276 : i32 to index
    %get3A_278 = arith.constant 80 : index
    %get3A_279 = tpu.vector_load %arg11[%get3A_277, %get3A_278] {strides = array<i32>} : memref<16x128xf32, #tpu.memory_space<vmem>>, vector<1x16xf32>,
    %get3A_280 = vector.shape_cast %get3A_279 : vector<1x16xf32> to vector<16xf32>
    %mul3A_281 = arith.mulf %get3A_280, %get3A_215 : vector<16xf32>
    %swap3A_282 = arith.constant 2 : i32
    %swap3A_283 = arith.index_cast %swap3A_282 : i32 to index
    %swap3A_284 = arith.constant 80 : index
    %swap3A_285 = tpu.vector_load %arg12[%swap3A_283, %swap3A_284] {strides = array<i32>} : memref<16x128xf32, #tpu.memory_space<vmem>>, vector<1x16xf32>,
    %swap3A_286 = vector.shape_cast %swap3A_285 : vector<1x16xf32> to vector<16xf32>
    %swap3A_287 = vector.shape_cast %mul3A_281 : vector<16xf32> to vector<1x16xf32>
    tpu.vector_store %arg12[%swap3A_283, %swap3A_284], %swap3A_287 {strides = array<i32>} : memref<16x128xf32, #tpu.memory_space<vmem>>, vector<1x16xf32>,
    %get3A_288 = arith.constant 2 : i32
    %get3A_289 = arith.index_cast %get3A_288 : i32 to index
    %get3A_290 = arith.constant 96 : index
    %get3A_291 = tpu.vector_load %arg11[%get3A_289, %get3A_290] {strides = array<i32>} : memref<16x128xf32, #tpu.memory_space<vmem>>, vector<1x16xf32>,
    %get3A_292 = vector.shape_cast %get3A_291 : vector<1x16xf32> to vector<16xf32>
    %mul3A_293 = arith.mulf %get3A_292, %get3A_215 : vector<16xf32>
    %swap3A_294 = arith.constant 2 : i32
    %swap3A_295 = arith.index_cast %swap3A_294 : i32 to index
    %swap3A_296 = arith.constant 96 : index
    %swap3A_297 = tpu.vector_load %arg12[%swap3A_295, %swap3A_296] {strides = array<i32>} : memref<16x128xf32, #tpu.memory_space<vmem>>, vector<1x16xf32>,
    %swap3A_298 = vector.shape_cast %swap3A_297 : vector<1x16xf32> to vector<16xf32>
    %swap3A_299 = vector.shape_cast %mul3A_293 : vector<16xf32> to vector<1x16xf32>
    tpu.vector_store %arg12[%swap3A_295, %swap3A_296], %swap3A_299 {strides = array<i32>} : memref<16x128xf32, #tpu.memory_space<vmem>>, vector<1x16xf32>,
    %get3A_300 = arith.constant 2 : i32
    %get3A_301 = arith.index_cast %get3A_300 : i32 to index
    %get3A_302 = arith.constant 112 : index
    %get3A_303 = tpu.vector_load %arg11[%get3A_301, %get3A_302] {strides = array<i32>} : memref<16x128xf32, #tpu.memory_space<vmem>>, vector<1x16xf32>,
    %get3A_304 = vector.shape_cast %get3A_303 : vector<1x16xf32> to vector<16xf32>
    %mul3A_305 = arith.mulf %get3A_304, %get3A_215 : vector<16xf32>
    %swap3A_306 = arith.constant 2 : i32
    %swap3A_307 = arith.index_cast %swap3A_306 : i32 to index
    %swap3A_308 = arith.constant 112 : index
    %swap3A_309 = tpu.vector_load %arg12[%swap3A_307, %swap3A_308] {strides = array<i32>} : memref<16x128xf32, #tpu.memory_space<vmem>>, vector<1x16xf32>,
    %swap3A_310 = vector.shape_cast %swap3A_309 : vector<1x16xf32> to vector<16xf32>
    %swap3A_311 = vector.shape_cast %mul3A_305 : vector<16xf32> to vector<1x16xf32>
    tpu.vector_store %arg12[%swap3A_307, %swap3A_308], %swap3A_311 {strides = array<i32>} : memref<16x128xf32, #tpu.memory_space<vmem>>, vector<1x16xf32>,
    %get3A_312 = arith.constant 3 : i32
    %get3A_313 = arith.index_cast %get3A_312 : i32 to index
    %get3A_314 = arith.constant 0 : index
    %get3A_315 = tpu.vector_load %arg8[%get3A_313, %get3A_314] {strides = array<i32>} : memref<16x16xf32, #tpu.memory_space<vmem>>, vector<1x16xf32>,
    %get3A_316 = vector.shape_cast %get3A_315 : vector<1x16xf32> to vector<16xf32>
    %get3A_317 = arith.constant 3 : i32
    %get3A_318 = arith.index_cast %get3A_317 : i32 to index
    %get3A_319 = arith.constant 0 : index
    %get3A_320 = tpu.vector_load %arg11[%get3A_318, %get3A_319] {strides = array<i32>} : memref<16x128xf32, #tpu.memory_space<vmem>>, vector<1x16xf32>,
    %get3A_321 = vector.shape_cast %get3A_320 : vector<1x16xf32> to vector<16xf32>
    %mul3A_322 = arith.mulf %get3A_321, %get3A_316 : vector<16xf32>
    %swap3A_323 = arith.constant 3 : i32
    %swap3A_324 = arith.index_cast %swap3A_323 : i32 to index
    %swap3A_325 = arith.constant 0 : index
    %swap3A_326 = tpu.vector_load %arg12[%swap3A_324, %swap3A_325] {strides = array<i32>} : memref<16x128xf32, #tpu.memory_space<vmem>>, vector<1x16xf32>,
    %swap3A_327 = vector.shape_cast %swap3A_326 : vector<1x16xf32> to vector<16xf32>
    %swap3A_328 = vector.shape_cast %mul3A_322 : vector<16xf32> to vector<1x16xf32>
    tpu.vector_store %arg12[%swap3A_324, %swap3A_325], %swap3A_328 {strides = array<i32>} : memref<16x128xf32, #tpu.memory_space<vmem>>, vector<1x16xf32>,
    %get3A_329 = arith.constant 3 : i32
    %get3A_330 = arith.index_cast %get3A_329 : i32 to index
    %get3A_331 = arith.constant 16 : index
    %get3A_332 = tpu.vector_load %arg11[%get3A_330, %get3A_331] {strides = array<i32>} : memref<16x128xf32, #tpu.memory_space<vmem>>, vector<1x16xf32>,
    %get3A_333 = vector.shape_cast %get3A_332 : vector<1x16xf32> to vector<16xf32>
    %mul3A_334 = arith.mulf %get3A_333, %get3A_316 : vector<16xf32>
    %swap3A_335 = arith.constant 3 : i32
    %swap3A_336 = arith.index_cast %swap3A_335 : i32 to index
    %swap3A_337 = arith.constant 16 : index
    %swap3A_338 = tpu.vector_load %arg12[%swap3A_336, %swap3A_337] {strides = array<i32>} : memref<16x128xf32, #tpu.memory_space<vmem>>, vector<1x16xf32>,
    %swap3A_339 = vector.shape_cast %swap3A_338 : vector<1x16xf32> to vector<16xf32>
    %swap3A_340 = vector.shape_cast %mul3A_334 : vector<16xf32> to vector<1x16xf32>
    tpu.vector_store %arg12[%swap3A_336, %swap3A_337], %swap3A_340 {strides = array<i32>} : memref<16x128xf32, #tpu.memory_space<vmem>>, vector<1x16xf32>,
    %get3A_341 = arith.constant 3 : i32
    %get3A_342 = arith.index_cast %get3A_341 : i32 to index
    %get3A_343 = arith.constant 32 : index
    %get3A_344 = tpu.vector_load %arg11[%get3A_342, %get3A_343] {strides = array<i32>} : memref<16x128xf32, #tpu.memory_space<vmem>>, vector<1x16xf32>,
    %get3A_345 = vector.shape_cast %get3A_344 : vector<1x16xf32> to vector<16xf32>
    %mul3A_346 = arith.mulf %get3A_345, %get3A_316 : vector<16xf32>
    %swap3A_347 = arith.constant 3 : i32
    %swap3A_348 = arith.index_cast %swap3A_347 : i32 to index
    %swap3A_349 = arith.constant 32 : index
    %swap3A_350 = tpu.vector_load %arg12[%swap3A_348, %swap3A_349] {strides = array<i32>} : memref<16x128xf32, #tpu.memory_space<vmem>>, vector<1x16xf32>,
    %swap3A_351 = vector.shape_cast %swap3A_350 : vector<1x16xf32> to vector<16xf32>
    %swap3A_352 = vector.shape_cast %mul3A_346 : vector<16xf32> to vector<1x16xf32>
    tpu.vector_store %arg12[%swap3A_348, %swap3A_349], %swap3A_352 {strides = array<i32>} : memref<16x128xf32, #tpu.memory_space<vmem>>, vector<1x16xf32>,
    %get3A_353 = arith.constant 3 : i32
    %get3A_354 = arith.index_cast %get3A_353 : i32 to index
    %get3A_355 = arith.constant 48 : index
    %get3A_356 = tpu.vector_load %arg11[%get3A_354, %get3A_355] {strides = array<i32>} : memref<16x128xf32, #tpu.memory_space<vmem>>, vector<1x16xf32>,
    %get3A_357 = vector.shape_cast %get3A_356 : vector<1x16xf32> to vector<16xf32>
    %mul3A_358 = arith.mulf %get3A_357, %get3A_316 : vector<16xf32>
    %swap3A_359 = arith.constant 3 : i32
    %swap3A_360 = arith.index_cast %swap3A_359 : i32 to index
    %swap3A_361 = arith.constant 48 : index
    %swap3A_362 = tpu.vector_load %arg12[%swap3A_360, %swap3A_361] {strides = array<i32>} : memref<16x128xf32, #tpu.memory_space<vmem>>, vector<1x16xf32>,
    %swap3A_363 = vector.shape_cast %swap3A_362 : vector<1x16xf32> to vector<16xf32>
    %swap3A_364 = vector.shape_cast %mul3A_358 : vector<16xf32> to vector<1x16xf32>
    tpu.vector_store %arg12[%swap3A_360, %swap3A_361], %swap3A_364 {strides = array<i32>} : memref<16x128xf32, #tpu.memory_space<vmem>>, vector<1x16xf32>,
    %get3A_365 = arith.constant 3 : i32
    %get3A_366 = arith.index_cast %get3A_365 : i32 to index
    %get3A_367 = arith.constant 64 : index
    %get3A_368 = tpu.vector_load %arg11[%get3A_366, %get3A_367] {strides = array<i32>} : memref<16x128xf32, #tpu.memory_space<vmem>>, vector<1x16xf32>,
    %get3A_369 = vector.shape_cast %get3A_368 : vector<1x16xf32> to vector<16xf32>
    %mul3A_370 = arith.mulf %get3A_369, %get3A_316 : vector<16xf32>
    %swap3A_371 = arith.constant 3 : i32
    %swap3A_372 = arith.index_cast %swap3A_371 : i32 to index
    %swap3A_373 = arith.constant 64 : index
    %swap3A_374 = tpu.vector_load %arg12[%swap3A_372, %swap3A_373] {strides = array<i32>} : memref<16x128xf32, #tpu.memory_space<vmem>>, vector<1x16xf32>,
    %swap3A_375 = vector.shape_cast %swap3A_374 : vector<1x16xf32> to vector<16xf32>
    %swap3A_376 = vector.shape_cast %mul3A_370 : vector<16xf32> to vector<1x16xf32>
    tpu.vector_store %arg12[%swap3A_372, %swap3A_373], %swap3A_376 {strides = array<i32>} : memref<16x128xf32, #tpu.memory_space<vmem>>, vector<1x16xf32>,
    %get3A_377 = arith.constant 3 : i32
    %get3A_378 = arith.index_cast %get3A_377 : i32 to index
    %get3A_379 = arith.constant 80 : index
    %get3A_380 = tpu.vector_load %arg11[%get3A_378, %get3A_379] {strides = array<i32>} : memref<16x128xf32, #tpu.memory_space<vmem>>, vector<1x16xf32>,
    %get3A_381 = vector.shape_cast %get3A_380 : vector<1x16xf32> to vector<16xf32>
    %mul3A_382 = arith.mulf %get3A_381, %get3A_316 : vector<16xf32>
    %swap3A_383 = arith.constant 3 : i32
    %swap3A_384 = arith.index_cast %swap3A_383 : i32 to index
    %swap3A_385 = arith.constant 80 : index
    %swap3A_386 = tpu.vector_load %arg12[%swap3A_384, %swap3A_385] {strides = array<i32>} : memref<16x128xf32, #tpu.memory_space<vmem>>, vector<1x16xf32>,
    %swap3A_387 = vector.shape_cast %swap3A_386 : vector<1x16xf32> to vector<16xf32>
    %swap3A_388 = vector.shape_cast %mul3A_382 : vector<16xf32> to vector<1x16xf32>
    tpu.vector_store %arg12[%swap3A_384, %swap3A_385], %swap3A_388 {strides = array<i32>} : memref<16x128xf32, #tpu.memory_space<vmem>>, vector<1x16xf32>,
    %get3A_389 = arith.constant 3 : i32
    %get3A_390 = arith.index_cast %get3A_389 : i32 to index
    %get3A_391 = arith.constant 96 : index
    %get3A_392 = tpu.vector_load %arg11[%get3A_390, %get3A_391] {strides = array<i32>} : memref<16x128xf32, #tpu.memory_space<vmem>>, vector<1x16xf32>,
    %get3A_393 = vector.shape_cast %get3A_392 : vector<1x16xf32> to vector<16xf32>
    %mul3A_394 = arith.mulf %get3A_393, %get3A_316 : vector<16xf32>
    %swap3A_395 = arith.constant 3 : i32
    %swap3A_396 = arith.index_cast %swap3A_395 : i32 to index
    %swap3A_397 = arith.constant 96 : index
    %swap3A_398 = tpu.vector_load %arg12[%swap3A_396, %swap3A_397] {strides = array<i32>} : memref<16x128xf32, #tpu.memory_space<vmem>>, vector<1x16xf32>,
    %swap3A_399 = vector.shape_cast %swap3A_398 : vector<1x16xf32> to vector<16xf32>
    %swap3A_400 = vector.shape_cast %mul3A_394 : vector<16xf32> to vector<1x16xf32>
    tpu.vector_store %arg12[%swap3A_396, %swap3A_397], %swap3A_400 {strides = array<i32>} : memref<16x128xf32, #tpu.memory_space<vmem>>, vector<1x16xf32>,
    %get3A_401 = arith.constant 3 : i32
    %get3A_402 = arith.index_cast %get3A_401 : i32 to index
    %get3A_403 = arith.constant 112 : index
    %get3A_404 = tpu.vector_load %arg11[%get3A_402, %get3A_403] {strides = array<i32>} : memref<16x128xf32, #tpu.memory_space<vmem>>, vector<1x16xf32>,
    %get3A_405 = vector.shape_cast %get3A_404 : vector<1x16xf32> to vector<16xf32>
    %mul3A_406 = arith.mulf %get3A_405, %get3A_316 : vector<16xf32>
    %swap3A_407 = arith.constant 3 : i32
    %swap3A_408 = arith.index_cast %swap3A_407 : i32 to index
    %swap3A_409 = arith.constant 112 : index
    %swap3A_410 = tpu.vector_load %arg12[%swap3A_408, %swap3A_409] {strides = array<i32>} : memref<16x128xf32, #tpu.memory_space<vmem>>, vector<1x16xf32>,
    %swap3A_411 = vector.shape_cast %swap3A_410 : vector<1x16xf32> to vector<16xf32>
    %swap3A_412 = vector.shape_cast %mul3A_406 : vector<16xf32> to vector<1x16xf32>
    tpu.vector_store %arg12[%swap3A_408, %swap3A_409], %swap3A_412 {strides = array<i32>} : memref<16x128xf32, #tpu.memory_space<vmem>>, vector<1x16xf32>,
    %get3A_413 = arith.constant 4 : i32
    %get3A_414 = arith.index_cast %get3A_413 : i32 to index
    %get3A_415 = arith.constant 0 : index
    %get3A_416 = tpu.vector_load %arg8[%get3A_414, %get3A_415] {strides = array<i32>} : memref<16x16xf32, #tpu.memory_space<vmem>>, vector<1x16xf32>,
    %get3A_417 = vector.shape_cast %get3A_416 : vector<1x16xf32> to vector<16xf32>
    %get3A_418 = arith.constant 4 : i32
    %get3A_419 = arith.index_cast %get3A_418 : i32 to index
    %get3A_420 = arith.constant 0 : index
    %get3A_421 = tpu.vector_load %arg11[%get3A_419, %get3A_420] {strides = array<i32>} : memref<16x128xf32, #tpu.memory_space<vmem>>, vector<1x16xf32>,
    %get3A_422 = vector.shape_cast %get3A_421 : vector<1x16xf32> to vector<16xf32>
    %mul3A_423 = arith.mulf %get3A_422, %get3A_417 : vector<16xf32>
    %swap3A_424 = arith.constant 4 : i32
    %swap3A_425 = arith.index_cast %swap3A_424 : i32 to index
    %swap3A_426 = arith.constant 0 : index
    %swap3A_427 = tpu.vector_load %arg12[%swap3A_425, %swap3A_426] {strides = array<i32>} : memref<16x128xf32, #tpu.memory_space<vmem>>, vector<1x16xf32>,
    %swap3A_428 = vector.shape_cast %swap3A_427 : vector<1x16xf32> to vector<16xf32>
    %swap3A_429 = vector.shape_cast %mul3A_423 : vector<16xf32> to vector<1x16xf32>
    tpu.vector_store %arg12[%swap3A_425, %swap3A_426], %swap3A_429 {strides = array<i32>} : memref<16x128xf32, #tpu.memory_space<vmem>>, vector<1x16xf32>,
    %get3A_430 = arith.constant 4 : i32
    %get3A_431 = arith.index_cast %get3A_430 : i32 to index
    %get3A_432 = arith.constant 16 : index
    %get3A_433 = tpu.vector_load %arg11[%get3A_431, %get3A_432] {strides = array<i32>} : memref<16x128xf32, #tpu.memory_space<vmem>>, vector<1x16xf32>,
    %get3A_434 = vector.shape_cast %get3A_433 : vector<1x16xf32> to vector<16xf32>
    %mul3A_435 = arith.mulf %get3A_434, %get3A_417 : vector<16xf32>
    %swap3A_436 = arith.constant 4 : i32
    %swap3A_437 = arith.index_cast %swap3A_436 : i32 to index
    %swap3A_438 = arith.constant 16 : index
    %swap3A_439 = tpu.vector_load %arg12[%swap3A_437, %swap3A_438] {strides = array<i32>} : memref<16x128xf32, #tpu.memory_space<vmem>>, vector<1x16xf32>,
    %swap3A_440 = vector.shape_cast %swap3A_439 : vector<1x16xf32> to vector<16xf32>
    %swap3A_441 = vector.shape_cast %mul3A_435 : vector<16xf32> to vector<1x16xf32>
    tpu.vector_store %arg12[%swap3A_437, %swap3A_438], %swap3A_441 {strides = array<i32>} : memref<16x128xf32, #tpu.memory_space<vmem>>, vector<1x16xf32>,
    %get3A_442 = arith.constant 4 : i32
    %get3A_443 = arith.index_cast %get3A_442 : i32 to index
    %get3A_444 = arith.constant 32 : index
    %get3A_445 = tpu.vector_load %arg11[%get3A_443, %get3A_444] {strides = array<i32>} : memref<16x128xf32, #tpu.memory_space<vmem>>, vector<1x16xf32>,
    %get3A_446 = vector.shape_cast %get3A_445 : vector<1x16xf32> to vector<16xf32>
    %mul3A_447 = arith.mulf %get3A_446, %get3A_417 : vector<16xf32>
    %swap3A_448 = arith.constant 4 : i32
    %swap3A_449 = arith.index_cast %swap3A_448 : i32 to index
    %swap3A_450 = arith.constant 32 : index
    %swap3A_451 = tpu.vector_load %arg12[%swap3A_449, %swap3A_450] {strides = array<i32>} : memref<16x128xf32, #tpu.memory_space<vmem>>, vector<1x16xf32>,
    %swap3A_452 = vector.shape_cast %swap3A_451 : vector<1x16xf32> to vector<16xf32>
    %swap3A_453 = vector.shape_cast %mul3A_447 : vector<16xf32> to vector<1x16xf32>
    tpu.vector_store %arg12[%swap3A_449, %swap3A_450], %swap3A_453 {strides = array<i32>} : memref<16x128xf32, #tpu.memory_space<vmem>>, vector<1x16xf32>,
    %get3A_454 = arith.constant 4 : i32
    %get3A_455 = arith.index_cast %get3A_454 : i32 to index
    %get3A_456 = arith.constant 48 : index
    %get3A_457 = tpu.vector_load %arg11[%get3A_455, %get3A_456] {strides = array<i32>} : memref<16x128xf32, #tpu.memory_space<vmem>>, vector<1x16xf32>,
    %get3A_458 = vector.shape_cast %get3A_457 : vector<1x16xf32> to vector<16xf32>
    %mul3A_459 = arith.mulf %get3A_458, %get3A_417 : vector<16xf32>
    %swap3A_460 = arith.constant 4 : i32
    %swap3A_461 = arith.index_cast %swap3A_460 : i32 to index
    %swap3A_462 = arith.constant 48 : index
    %swap3A_463 = tpu.vector_load %arg12[%swap3A_461, %swap3A_462] {strides = array<i32>} : memref<16x128xf32, #tpu.memory_space<vmem>>, vector<1x16xf32>,
    %swap3A_464 = vector.shape_cast %swap3A_463 : vector<1x16xf32> to vector<16xf32>
    %swap3A_465 = vector.shape_cast %mul3A_459 : vector<16xf32> to vector<1x16xf32>
    tpu.vector_store %arg12[%swap3A_461, %swap3A_462], %swap3A_465 {strides = array<i32>} : memref<16x128xf32, #tpu.memory_space<vmem>>, vector<1x16xf32>,
    %get3A_466 = arith.constant 4 : i32
    %get3A_467 = arith.index_cast %get3A_466 : i32 to index
    %get3A_468 = arith.constant 64 : index
    %get3A_469 = tpu.vector_load %arg11[%get3A_467, %get3A_468] {strides = array<i32>} : memref<16x128xf32, #tpu.memory_space<vmem>>, vector<1x16xf32>,
    %get3A_470 = vector.shape_cast %get3A_469 : vector<1x16xf32> to vector<16xf32>
    %mul3A_471 = arith.mulf %get3A_470, %get3A_417 : vector<16xf32>
    %swap3A_472 = arith.constant 4 : i32
    %swap3A_473 = arith.index_cast %swap3A_472 : i32 to index
    %swap3A_474 = arith.constant 64 : index
    %swap3A_475 = tpu.vector_load %arg12[%swap3A_473, %swap3A_474] {strides = array<i32>} : memref<16x128xf32, #tpu.memory_space<vmem>>, vector<1x16xf32>,
    %swap3A_476 = vector.shape_cast %swap3A_475 : vector<1x16xf32> to vector<16xf32>
    %swap3A_477 = vector.shape_cast %mul3A_471 : vector<16xf32> to vector<1x16xf32>
    tpu.vector_store %arg12[%swap3A_473, %swap3A_474], %swap3A_477 {strides = array<i32>} : memref<16x128xf32, #tpu.memory_space<vmem>>, vector<1x16xf32>,
    %get3A_478 = arith.constant 4 : i32
    %get3A_479 = arith.index_cast %get3A_478 : i32 to index
    %get3A_480 = arith.constant 80 : index
    %get3A_481 = tpu.vector_load %arg11[%get3A_479, %get3A_480] {strides = array<i32>} : memref<16x128xf32, #tpu.memory_space<vmem>>, vector<1x16xf32>,
    %get3A_482 = vector.shape_cast %get3A_481 : vector<1x16xf32> to vector<16xf32>
    %mul3A_483 = arith.mulf %get3A_482, %get3A_417 : vector<16xf32>
    %swap3A_484 = arith.constant 4 : i32
    %swap3A_485 = arith.index_cast %swap3A_484 : i32 to index
    %swap3A_486 = arith.constant 80 : index
    %swap3A_487 = tpu.vector_load %arg12[%swap3A_485, %swap3A_486] {strides = array<i32>} : memref<16x128xf32, #tpu.memory_space<vmem>>, vector<1x16xf32>,
    %swap3A_488 = vector.shape_cast %swap3A_487 : vector<1x16xf32> to vector<16xf32>
    %swap3A_489 = vector.shape_cast %mul3A_483 : vector<16xf32> to vector<1x16xf32>
    tpu.vector_store %arg12[%swap3A_485, %swap3A_486], %swap3A_489 {strides = array<i32>} : memref<16x128xf32, #tpu.memory_space<vmem>>, vector<1x16xf32>,
    %get3A_490 = arith.constant 4 : i32
    %get3A_491 = arith.index_cast %get3A_490 : i32 to index
    %get3A_492 = arith.constant 96 : index
    %get3A_493 = tpu.vector_load %arg11[%get3A_491, %get3A_492] {strides = array<i32>} : memref<16x128xf32, #tpu.memory_space<vmem>>, vector<1x16xf32>,
    %get3A_494 = vector.shape_cast %get3A_493 : vector<1x16xf32> to vector<16xf32>
    %mul3A_495 = arith.mulf %get3A_494, %get3A_417 : vector<16xf32>
    %swap3A_496 = arith.constant 4 : i32
    %swap3A_497 = arith.index_cast %swap3A_496 : i32 to index
    %swap3A_498 = arith.constant 96 : index
    %swap3A_499 = tpu.vector_load %arg12[%swap3A_497, %swap3A_498] {strides = array<i32>} : memref<16x128xf32, #tpu.memory_space<vmem>>, vector<1x16xf32>,
    %swap3A_500 = vector.shape_cast %swap3A_499 : vector<1x16xf32> to vector<16xf32>
    %swap3A_501 = vector.shape_cast %mul3A_495 : vector<16xf32> to vector<1x16xf32>
    tpu.vector_store %arg12[%swap3A_497, %swap3A_498], %swap3A_501 {strides = array<i32>} : memref<16x128xf32, #tpu.memory_space<vmem>>, vector<1x16xf32>,
    %get3A_502 = arith.constant 4 : i32
    %get3A_503 = arith.index_cast %get3A_502 : i32 to index
    %get3A_504 = arith.constant 112 : index
    %get3A_505 = tpu.vector_load %arg11[%get3A_503, %get3A_504] {strides = array<i32>} : memref<16x128xf32, #tpu.memory_space<vmem>>, vector<1x16xf32>,
    %get3A_506 = vector.shape_cast %get3A_505 : vector<1x16xf32> to vector<16xf32>
    %mul3A_507 = arith.mulf %get3A_506, %get3A_417 : vector<16xf32>
    %swap3A_508 = arith.constant 4 : i32
    %swap3A_509 = arith.index_cast %swap3A_508 : i32 to index
    %swap3A_510 = arith.constant 112 : index
    %swap3A_511 = tpu.vector_load %arg12[%swap3A_509, %swap3A_510] {strides = array<i32>} : memref<16x128xf32, #tpu.memory_space<vmem>>, vector<1x16xf32>,
    %swap3A_512 = vector.shape_cast %swap3A_511 : vector<1x16xf32> to vector<16xf32>
    %swap3A_513 = vector.shape_cast %mul3A_507 : vector<16xf32> to vector<1x16xf32>
    tpu.vector_store %arg12[%swap3A_509, %swap3A_510], %swap3A_513 {strides = array<i32>} : memref<16x128xf32, #tpu.memory_space<vmem>>, vector<1x16xf32>,
    %get3A_514 = arith.constant 5 : i32
    %get3A_515 = arith.index_cast %get3A_514 : i32 to index
    %get3A_516 = arith.constant 0 : index
    %get3A_517 = tpu.vector_load %arg8[%get3A_515, %get3A_516] {strides = array<i32>} : memref<16x16xf32, #tpu.memory_space<vmem>>, vector<1x16xf32>,
    %get3A_518 = vector.shape_cast %get3A_517 : vector<1x16xf32> to vector<16xf32>
    %get3A_519 = arith.constant 5 : i32
    %get3A_520 = arith.index_cast %get3A_519 : i32 to index
    %get3A_521 = arith.constant 0 : index
    %get3A_522 = tpu.vector_load %arg11[%get3A_520, %get3A_521] {strides = array<i32>} : memref<16x128xf32, #tpu.memory_space<vmem>>, vector<1x16xf32>,
    %get3A_523 = vector.shape_cast %get3A_522 : vector<1x16xf32> to vector<16xf32>
    %mul3A_524 = arith.mulf %get3A_523, %get3A_518 : vector<16xf32>
    %swap3A_525 = arith.constant 5 : i32
    %swap3A_526 = arith.index_cast %swap3A_525 : i32 to index
    %swap3A_527 = arith.constant 0 : index
    %swap3A_528 = tpu.vector_load %arg12[%swap3A_526, %swap3A_527] {strides = array<i32>} : memref<16x128xf32, #tpu.memory_space<vmem>>, vector<1x16xf32>,
    %swap3A_529 = vector.shape_cast %swap3A_528 : vector<1x16xf32> to vector<16xf32>
    %swap3A_530 = vector.shape_cast %mul3A_524 : vector<16xf32> to vector<1x16xf32>
    tpu.vector_store %arg12[%swap3A_526, %swap3A_527], %swap3A_530 {strides = array<i32>} : memref<16x128xf32, #tpu.memory_space<vmem>>, vector<1x16xf32>,
    %get3A_531 = arith.constant 5 : i32
    %get3A_532 = arith.index_cast %get3A_531 : i32 to index
    %get3A_533 = arith.constant 16 : index
    %get3A_534 = tpu.vector_load %arg11[%get3A_532, %get3A_533] {strides = array<i32>} : memref<16x128xf32, #tpu.memory_space<vmem>>, vector<1x16xf32>,
    %get3A_535 = vector.shape_cast %get3A_534 : vector<1x16xf32> to vector<16xf32>
    %mul3A_536 = arith.mulf %get3A_535, %get3A_518 : vector<16xf32>
    %swap3A_537 = arith.constant 5 : i32
    %swap3A_538 = arith.index_cast %swap3A_537 : i32 to index
    %swap3A_539 = arith.constant 16 : index
    %swap3A_540 = tpu.vector_load %arg12[%swap3A_538, %swap3A_539] {strides = array<i32>} : memref<16x128xf32, #tpu.memory_space<vmem>>, vector<1x16xf32>,
    %swap3A_541 = vector.shape_cast %swap3A_540 : vector<1x16xf32> to vector<16xf32>
    %swap3A_542 = vector.shape_cast %mul3A_536 : vector<16xf32> to vector<1x16xf32>
    tpu.vector_store %arg12[%swap3A_538, %swap3A_539], %swap3A_542 {strides = array<i32>} : memref<16x128xf32, #tpu.memory_space<vmem>>, vector<1x16xf32>,
    %get3A_543 = arith.constant 5 : i32
    %get3A_544 = arith.index_cast %get3A_543 : i32 to index
    %get3A_545 = arith.constant 32 : index
    %get3A_546 = tpu.vector_load %arg11[%get3A_544, %get3A_545] {strides = array<i32>} : memref<16x128xf32, #tpu.memory_space<vmem>>, vector<1x16xf32>,
    %get3A_547 = vector.shape_cast %get3A_546 : vector<1x16xf32> to vector<16xf32>
    %mul3A_548 = arith.mulf %get3A_547, %get3A_518 : vector<16xf32>
    %swap3A_549 = arith.constant 5 : i32
    %swap3A_550 = arith.index_cast %swap3A_549 : i32 to index
    %swap3A_551 = arith.constant 32 : index
    %swap3A_552 = tpu.vector_load %arg12[%swap3A_550, %swap3A_551] {strides = array<i32>} : memref<16x128xf32, #tpu.memory_space<vmem>>, vector<1x16xf32>,
    %swap3A_553 = vector.shape_cast %swap3A_552 : vector<1x16xf32> to vector<16xf32>
    %swap3A_554 = vector.shape_cast %mul3A_548 : vector<16xf32> to vector<1x16xf32>
    tpu.vector_store %arg12[%swap3A_550, %swap3A_551], %swap3A_554 {strides = array<i32>} : memref<16x128xf32, #tpu.memory_space<vmem>>, vector<1x16xf32>,
    %get3A_555 = arith.constant 5 : i32
    %get3A_556 = arith.index_cast %get3A_555 : i32 to index
    %get3A_557 = arith.constant 48 : index
    %get3A_558 = tpu.vector_load %arg11[%get3A_556, %get3A_557] {strides = array<i32>} : memref<16x128xf32, #tpu.memory_space<vmem>>, vector<1x16xf32>,
    %get3A_559 = vector.shape_cast %get3A_558 : vector<1x16xf32> to vector<16xf32>
    %mul3A_560 = arith.mulf %get3A_559, %get3A_518 : vector<16xf32>
    %swap3A_561 = arith.constant 5 : i32
    %swap3A_562 = arith.index_cast %swap3A_561 : i32 to index
    %swap3A_563 = arith.constant 48 : index
    %swap3A_564 = tpu.vector_load %arg12[%swap3A_562, %swap3A_563] {strides = array<i32>} : memref<16x128xf32, #tpu.memory_space<vmem>>, vector<1x16xf32>,
    %swap3A_565 = vector.shape_cast %swap3A_564 : vector<1x16xf32> to vector<16xf32>
    %swap3A_566 = vector.shape_cast %mul3A_560 : vector<16xf32> to vector<1x16xf32>
    tpu.vector_store %arg12[%swap3A_562, %swap3A_563], %swap3A_566 {strides = array<i32>} : memref<16x128xf32, #tpu.memory_space<vmem>>, vector<1x16xf32>,
    %get3A_567 = arith.constant 5 : i32
    %get3A_568 = arith.index_cast %get3A_567 : i32 to index
    %get3A_569 = arith.constant 64 : index
    %get3A_570 = tpu.vector_load %arg11[%get3A_568, %get3A_569] {strides = array<i32>} : memref<16x128xf32, #tpu.memory_space<vmem>>, vector<1x16xf32>,
    %get3A_571 = vector.shape_cast %get3A_570 : vector<1x16xf32> to vector<16xf32>
    %mul3A_572 = arith.mulf %get3A_571, %get3A_518 : vector<16xf32>
    %swap3A_573 = arith.constant 5 : i32
    %swap3A_574 = arith.index_cast %swap3A_573 : i32 to index
    %swap3A_575 = arith.constant 64 : index
    %swap3A_576 = tpu.vector_load %arg12[%swap3A_574, %swap3A_575] {strides = array<i32>} : memref<16x128xf32, #tpu.memory_space<vmem>>, vector<1x16xf32>,
    %swap3A_577 = vector.shape_cast %swap3A_576 : vector<1x16xf32> to vector<16xf32>
    %swap3A_578 = vector.shape_cast %mul3A_572 : vector<16xf32> to vector<1x16xf32>
    tpu.vector_store %arg12[%swap3A_574, %swap3A_575], %swap3A_578 {strides = array<i32>} : memref<16x128xf32, #tpu.memory_space<vmem>>, vector<1x16xf32>,
    %get3A_579 = arith.constant 5 : i32
    %get3A_580 = arith.index_cast %get3A_579 : i32 to index
    %get3A_581 = arith.constant 80 : index
    %get3A_582 = tpu.vector_load %arg11[%get3A_580, %get3A_581] {strides = array<i32>} : memref<16x128xf32, #tpu.memory_space<vmem>>, vector<1x16xf32>,
    %get3A_583 = vector.shape_cast %get3A_582 : vector<1x16xf32> to vector<16xf32>
    %mul3A_584 = arith.mulf %get3A_583, %get3A_518 : vector<16xf32>
    %swap3A_585 = arith.constant 5 : i32
    %swap3A_586 = arith.index_cast %swap3A_585 : i32 to index
    %swap3A_587 = arith.constant 80 : index
    %swap3A_588 = tpu.vector_load %arg12[%swap3A_586, %swap3A_587] {strides = array<i32>} : memref<16x128xf32, #tpu.memory_space<vmem>>, vector<1x16xf32>,
    %swap3A_589 = vector.shape_cast %swap3A_588 : vector<1x16xf32> to vector<16xf32>
    %swap3A_590 = vector.shape_cast %mul3A_584 : vector<16xf32> to vector<1x16xf32>
    tpu.vector_store %arg12[%swap3A_586, %swap3A_587], %swap3A_590 {strides = array<i32>} : memref<16x128xf32, #tpu.memory_space<vmem>>, vector<1x16xf32>,
    %get3A_591 = arith.constant 5 : i32
    %get3A_592 = arith.index_cast %get3A_591 : i32 to index
    %get3A_593 = arith.constant 96 : index
    %get3A_594 = tpu.vector_load %arg11[%get3A_592, %get3A_593] {strides = array<i32>} : memref<16x128xf32, #tpu.memory_space<vmem>>, vector<1x16xf32>,
    %get3A_595 = vector.shape_cast %get3A_594 : vector<1x16xf32> to vector<16xf32>
    %mul3A_596 = arith.mulf %get3A_595, %get3A_518 : vector<16xf32>
    %swap3A_597 = arith.constant 5 : i32
    %swap3A_598 = arith.index_cast %swap3A_597 : i32 to index
    %swap3A_599 = arith.constant 96 : index
    %swap3A_600 = tpu.vector_load %arg12[%swap3A_598, %swap3A_599] {strides = array<i32>} : memref<16x128xf32, #tpu.memory_space<vmem>>, vector<1x16xf32>,
    %swap3A_601 = vector.shape_cast %swap3A_600 : vector<1x16xf32> to vector<16xf32>
    %swap3A_602 = vector.shape_cast %mul3A_596 : vector<16xf32> to vector<1x16xf32>
    tpu.vector_store %arg12[%swap3A_598, %swap3A_599], %swap3A_602 {strides = array<i32>} : memref<16x128xf32, #tpu.memory_space<vmem>>, vector<1x16xf32>,
    %get3A_603 = arith.constant 5 : i32
    %get3A_604 = arith.index_cast %get3A_603 : i32 to index
    %get3A_605 = arith.constant 112 : index
    %get3A_606 = tpu.vector_load %arg11[%get3A_604, %get3A_605] {strides = array<i32>} : memref<16x128xf32, #tpu.memory_space<vmem>>, vector<1x16xf32>,
    %get3A_607 = vector.shape_cast %get3A_606 : vector<1x16xf32> to vector<16xf32>
    %mul3A_608 = arith.mulf %get3A_607, %get3A_518 : vector<16xf32>
    %swap3A_609 = arith.constant 5 : i32
    %swap3A_610 = arith.index_cast %swap3A_609 : i32 to index
    %swap3A_611 = arith.constant 112 : index
    %swap3A_612 = tpu.vector_load %arg12[%swap3A_610, %swap3A_611] {strides = array<i32>} : memref<16x128xf32, #tpu.memory_space<vmem>>, vector<1x16xf32>,
    %swap3A_613 = vector.shape_cast %swap3A_612 : vector<1x16xf32> to vector<16xf32>
    %swap3A_614 = vector.shape_cast %mul3A_608 : vector<16xf32> to vector<1x16xf32>
    tpu.vector_store %arg12[%swap3A_610, %swap3A_611], %swap3A_614 {strides = array<i32>} : memref<16x128xf32, #tpu.memory_space<vmem>>, vector<1x16xf32>,
    %get3A_615 = arith.constant 6 : i32
    %get3A_616 = arith.index_cast %get3A_615 : i32 to index
    %get3A_617 = arith.constant 0 : index
    %get3A_618 = tpu.vector_load %arg8[%get3A_616, %get3A_617] {strides = array<i32>} : memref<16x16xf32, #tpu.memory_space<vmem>>, vector<1x16xf32>,
    %get3A_619 = vector.shape_cast %get3A_618 : vector<1x16xf32> to vector<16xf32>
    %get3A_620 = arith.constant 6 : i32
    %get3A_621 = arith.index_cast %get3A_620 : i32 to index
    %get3A_622 = arith.constant 0 : index
    %get3A_623 = tpu.vector_load %arg11[%get3A_621, %get3A_622] {strides = array<i32>} : memref<16x128xf32, #tpu.memory_space<vmem>>, vector<1x16xf32>,
    %get3A_624 = vector.shape_cast %get3A_623 : vector<1x16xf32> to vector<16xf32>
    %mul3A_625 = arith.mulf %get3A_624, %get3A_619 : vector<16xf32>
    %swap3A_626 = arith.constant 6 : i32
    %swap3A_627 = arith.index_cast %swap3A_626 : i32 to index
    %swap3A_628 = arith.constant 0 : index
    %swap3A_629 = tpu.vector_load %arg12[%swap3A_627, %swap3A_628] {strides = array<i32>} : memref<16x128xf32, #tpu.memory_space<vmem>>, vector<1x16xf32>,
    %swap3A_630 = vector.shape_cast %swap3A_629 : vector<1x16xf32> to vector<16xf32>
    %swap3A_631 = vector.shape_cast %mul3A_625 : vector<16xf32> to vector<1x16xf32>
    tpu.vector_store %arg12[%swap3A_627, %swap3A_628], %swap3A_631 {strides = array<i32>} : memref<16x128xf32, #tpu.memory_space<vmem>>, vector<1x16xf32>,
    %get3A_632 = arith.constant 6 : i32
    %get3A_633 = arith.index_cast %get3A_632 : i32 to index
    %get3A_634 = arith.constant 16 : index
    %get3A_635 = tpu.vector_load %arg11[%get3A_633, %get3A_634] {strides = array<i32>} : memref<16x128xf32, #tpu.memory_space<vmem>>, vector<1x16xf32>,
    %get3A_636 = vector.shape_cast %get3A_635 : vector<1x16xf32> to vector<16xf32>
    %mul3A_637 = arith.mulf %get3A_636, %get3A_619 : vector<16xf32>
    %swap3A_638 = arith.constant 6 : i32
    %swap3A_639 = arith.index_cast %swap3A_638 : i32 to index
    %swap3A_640 = arith.constant 16 : index
    %swap3A_641 = tpu.vector_load %arg12[%swap3A_639, %swap3A_640] {strides = array<i32>} : memref<16x128xf32, #tpu.memory_space<vmem>>, vector<1x16xf32>,
    %swap3A_642 = vector.shape_cast %swap3A_641 : vector<1x16xf32> to vector<16xf32>
    %swap3A_643 = vector.shape_cast %mul3A_637 : vector<16xf32> to vector<1x16xf32>
    tpu.vector_store %arg12[%swap3A_639, %swap3A_640], %swap3A_643 {strides = array<i32>} : memref<16x128xf32, #tpu.memory_space<vmem>>, vector<1x16xf32>,
    %get3A_644 = arith.constant 6 : i32
    %get3A_645 = arith.index_cast %get3A_644 : i32 to index
    %get3A_646 = arith.constant 32 : index
    %get3A_647 = tpu.vector_load %arg11[%get3A_645, %get3A_646] {strides = array<i32>} : memref<16x128xf32, #tpu.memory_space<vmem>>, vector<1x16xf32>,
    %get3A_648 = vector.shape_cast %get3A_647 : vector<1x16xf32> to vector<16xf32>
    %mul3A_649 = arith.mulf %get3A_648, %get3A_619 : vector<16xf32>
    %swap3A_650 = arith.constant 6 : i32
    %swap3A_651 = arith.index_cast %swap3A_650 : i32 to index
    %swap3A_652 = arith.constant 32 : index
    %swap3A_653 = tpu.vector_load %arg12[%swap3A_651, %swap3A_652] {strides = array<i32>} : memref<16x128xf32, #tpu.memory_space<vmem>>, vector<1x16xf32>,
    %swap3A_654 = vector.shape_cast %swap3A_653 : vector<1x16xf32> to vector<16xf32>
    %swap3A_655 = vector.shape_cast %mul3A_649 : vector<16xf32> to vector<1x16xf32>
    tpu.vector_store %arg12[%swap3A_651, %swap3A_652], %swap3A_655 {strides = array<i32>} : memref<16x128xf32, #tpu.memory_space<vmem>>, vector<1x16xf32>,
    %get3A_656 = arith.constant 6 : i32
    %get3A_657 = arith.index_cast %get3A_656 : i32 to index
    %get3A_658 = arith.constant 48 : index
    %get3A_659 = tpu.vector_load %arg11[%get3A_657, %get3A_658] {strides = array<i32>} : memref<16x128xf32, #tpu.memory_space<vmem>>, vector<1x16xf32>,
    %get3A_660 = vector.shape_cast %get3A_659 : vector<1x16xf32> to vector<16xf32>
    %mul3A_661 = arith.mulf %get3A_660, %get3A_619 : vector<16xf32>
    %swap3A_662 = arith.constant 6 : i32
    %swap3A_663 = arith.index_cast %swap3A_662 : i32 to index
    %swap3A_664 = arith.constant 48 : index
    %swap3A_665 = tpu.vector_load %arg12[%swap3A_663, %swap3A_664] {strides = array<i32>} : memref<16x128xf32, #tpu.memory_space<vmem>>, vector<1x16xf32>,
    %swap3A_666 = vector.shape_cast %swap3A_665 : vector<1x16xf32> to vector<16xf32>
    %swap3A_667 = vector.shape_cast %mul3A_661 : vector<16xf32> to vector<1x16xf32>
    tpu.vector_store %arg12[%swap3A_663, %swap3A_664], %swap3A_667 {strides = array<i32>} : memref<16x128xf32, #tpu.memory_space<vmem>>, vector<1x16xf32>,
    %get3A_668 = arith.constant 6 : i32
    %get3A_669 = arith.index_cast %get3A_668 : i32 to index
    %get3A_670 = arith.constant 64 : index
    %get3A_671 = tpu.vector_load %arg11[%get3A_669, %get3A_670] {strides = array<i32>} : memref<16x128xf32, #tpu.memory_space<vmem>>, vector<1x16xf32>,
    %get3A_672 = vector.shape_cast %get3A_671 : vector<1x16xf32> to vector<16xf32>
    %mul3A_673 = arith.mulf %get3A_672, %get3A_619 : vector<16xf32>
    %swap3A_674 = arith.constant 6 : i32
    %swap3A_675 = arith.index_cast %swap3A_674 : i32 to index
    %swap3A_676 = arith.constant 64 : index
    %swap3A_677 = tpu.vector_load %arg12[%swap3A_675, %swap3A_676] {strides = array<i32>} : memref<16x128xf32, #tpu.memory_space<vmem>>, vector<1x16xf32>,
    %swap3A_678 = vector.shape_cast %swap3A_677 : vector<1x16xf32> to vector<16xf32>
    %swap3A_679 = vector.shape_cast %mul3A_673 : vector<16xf32> to vector<1x16xf32>
    tpu.vector_store %arg12[%swap3A_675, %swap3A_676], %swap3A_679 {strides = array<i32>} : memref<16x128xf32, #tpu.memory_space<vmem>>, vector<1x16xf32>,
    %get3A_680 = arith.constant 6 : i32
    %get3A_681 = arith.index_cast %get3A_680 : i32 to index
    %get3A_682 = arith.constant 80 : index
    %get3A_683 = tpu.vector_load %arg11[%get3A_681, %get3A_682] {strides = array<i32>} : memref<16x128xf32, #tpu.memory_space<vmem>>, vector<1x16xf32>,
    %get3A_684 = vector.shape_cast %get3A_683 : vector<1x16xf32> to vector<16xf32>
    %mul3A_685 = arith.mulf %get3A_684, %get3A_619 : vector<16xf32>
    %swap3A_686 = arith.constant 6 : i32
    %swap3A_687 = arith.index_cast %swap3A_686 : i32 to index
    %swap3A_688 = arith.constant 80 : index
    %swap3A_689 = tpu.vector_load %arg12[%swap3A_687, %swap3A_688] {strides = array<i32>} : memref<16x128xf32, #tpu.memory_space<vmem>>, vector<1x16xf32>,
    %swap3A_690 = vector.shape_cast %swap3A_689 : vector<1x16xf32> to vector<16xf32>
    %swap3A_691 = vector.shape_cast %mul3A_685 : vector<16xf32> to vector<1x16xf32>
    tpu.vector_store %arg12[%swap3A_687, %swap3A_688], %swap3A_691 {strides = array<i32>} : memref<16x128xf32, #tpu.memory_space<vmem>>, vector<1x16xf32>,
    %get3A_692 = arith.constant 6 : i32
    %get3A_693 = arith.index_cast %get3A_692 : i32 to index
    %get3A_694 = arith.constant 96 : index
    %get3A_695 = tpu.vector_load %arg11[%get3A_693, %get3A_694] {strides = array<i32>} : memref<16x128xf32, #tpu.memory_space<vmem>>, vector<1x16xf32>,
    %get3A_696 = vector.shape_cast %get3A_695 : vector<1x16xf32> to vector<16xf32>
    %mul3A_697 = arith.mulf %get3A_696, %get3A_619 : vector<16xf32>
    %swap3A_698 = arith.constant 6 : i32
    %swap3A_699 = arith.index_cast %swap3A_698 : i32 to index
    %swap3A_700 = arith.constant 96 : index
    %swap3A_701 = tpu.vector_load %arg12[%swap3A_699, %swap3A_700] {strides = array<i32>} : memref<16x128xf32, #tpu.memory_space<vmem>>, vector<1x16xf32>,
    %swap3A_702 = vector.shape_cast %swap3A_701 : vector<1x16xf32> to vector<16xf32>
    %swap3A_703 = vector.shape_cast %mul3A_697 : vector<16xf32> to vector<1x16xf32>
    tpu.vector_store %arg12[%swap3A_699, %swap3A_700], %swap3A_703 {strides = array<i32>} : memref<16x128xf32, #tpu.memory_space<vmem>>, vector<1x16xf32>,
    %get3A_704 = arith.constant 6 : i32
    %get3A_705 = arith.index_cast %get3A_704 : i32 to index
    %get3A_706 = arith.constant 112 : index
    %get3A_707 = tpu.vector_load %arg11[%get3A_705, %get3A_706] {strides = array<i32>} : memref<16x128xf32, #tpu.memory_space<vmem>>, vector<1x16xf32>,
    %get3A_708 = vector.shape_cast %get3A_707 : vector<1x16xf32> to vector<16xf32>
    %mul3A_709 = arith.mulf %get3A_708, %get3A_619 : vector<16xf32>
    %swap3A_710 = arith.constant 6 : i32
    %swap3A_711 = arith.index_cast %swap3A_710 : i32 to index
    %swap3A_712 = arith.constant 112 : index
    %swap3A_713 = tpu.vector_load %arg12[%swap3A_711, %swap3A_712] {strides = array<i32>} : memref<16x128xf32, #tpu.memory_space<vmem>>, vector<1x16xf32>,
    %swap3A_714 = vector.shape_cast %swap3A_713 : vector<1x16xf32> to vector<16xf32>
    %swap3A_715 = vector.shape_cast %mul3A_709 : vector<16xf32> to vector<1x16xf32>
    tpu.vector_store %arg12[%swap3A_711, %swap3A_712], %swap3A_715 {strides = array<i32>} : memref<16x128xf32, #tpu.memory_space<vmem>>, vector<1x16xf32>,
    %get3A_716 = arith.constant 7 : i32
    %get3A_717 = arith.index_cast %get3A_716 : i32 to index
    %get3A_718 = arith.constant 0 : index
    %get3A_719 = tpu.vector_load %arg8[%get3A_717, %get3A_718] {strides = array<i32>} : memref<16x16xf32, #tpu.memory_space<vmem>>, vector<1x16xf32>,
    %get3A_720 = vector.shape_cast %get3A_719 : vector<1x16xf32> to vector<16xf32>
    %get3A_721 = arith.constant 7 : i32
    %get3A_722 = arith.index_cast %get3A_721 : i32 to index
    %get3A_723 = arith.constant 0 : index
    %get3A_724 = tpu.vector_load %arg11[%get3A_722, %get3A_723] {strides = array<i32>} : memref<16x128xf32, #tpu.memory_space<vmem>>, vector<1x16xf32>,
    %get3A_725 = vector.shape_cast %get3A_724 : vector<1x16xf32> to vector<16xf32>
    %mul3A_726 = arith.mulf %get3A_725, %get3A_720 : vector<16xf32>
    %swap3A_727 = arith.constant 7 : i32
    %swap3A_728 = arith.index_cast %swap3A_727 : i32 to index
    %swap3A_729 = arith.constant 0 : index
    %swap3A_730 = tpu.vector_load %arg12[%swap3A_728, %swap3A_729] {strides = array<i32>} : memref<16x128xf32, #tpu.memory_space<vmem>>, vector<1x16xf32>,
    %swap3A_731 = vector.shape_cast %swap3A_730 : vector<1x16xf32> to vector<16xf32>
    %swap3A_732 = vector.shape_cast %mul3A_726 : vector<16xf32> to vector<1x16xf32>
    tpu.vector_store %arg12[%swap3A_728, %swap3A_729], %swap3A_732 {strides = array<i32>} : memref<16x128xf32, #tpu.memory_space<vmem>>, vector<1x16xf32>,
    %get3A_733 = arith.constant 7 : i32
    %get3A_734 = arith.index_cast %get3A_733 : i32 to index
    %get3A_735 = arith.constant 16 : index
    %get3A_736 = tpu.vector_load %arg11[%get3A_734, %get3A_735] {strides = array<i32>} : memref<16x128xf32, #tpu.memory_space<vmem>>, vector<1x16xf32>,
    %get3A_737 = vector.shape_cast %get3A_736 : vector<1x16xf32> to vector<16xf32>
    %mul3A_738 = arith.mulf %get3A_737, %get3A_720 : vector<16xf32>
    %swap3A_739 = arith.constant 7 : i32
    %swap3A_740 = arith.index_cast %swap3A_739 : i32 to index
    %swap3A_741 = arith.constant 16 : index
    %swap3A_742 = tpu.vector_load %arg12[%swap3A_740, %swap3A_741] {strides = array<i32>} : memref<16x128xf32, #tpu.memory_space<vmem>>, vector<1x16xf32>,
    %swap3A_743 = vector.shape_cast %swap3A_742 : vector<1x16xf32> to vector<16xf32>
    %swap3A_744 = vector.shape_cast %mul3A_738 : vector<16xf32> to vector<1x16xf32>
    tpu.vector_store %arg12[%swap3A_740, %swap3A_741], %swap3A_744 {strides = array<i32>} : memref<16x128xf32, #tpu.memory_space<vmem>>, vector<1x16xf32>,
    %get3A_745 = arith.constant 7 : i32
    %get3A_746 = arith.index_cast %get3A_745 : i32 to index
    %get3A_747 = arith.constant 32 : index
    %get3A_748 = tpu.vector_load %arg11[%get3A_746, %get3A_747] {strides = array<i32>} : memref<16x128xf32, #tpu.memory_space<vmem>>, vector<1x16xf32>,
    %get3A_749 = vector.shape_cast %get3A_748 : vector<1x16xf32> to vector<16xf32>
    %mul3A_750 = arith.mulf %get3A_749, %get3A_720 : vector<16xf32>
    %swap3A_751 = arith.constant 7 : i32
    %swap3A_752 = arith.index_cast %swap3A_751 : i32 to index
    %swap3A_753 = arith.constant 32 : index
    %swap3A_754 = tpu.vector_load %arg12[%swap3A_752, %swap3A_753] {strides = array<i32>} : memref<16x128xf32, #tpu.memory_space<vmem>>, vector<1x16xf32>,
    %swap3A_755 = vector.shape_cast %swap3A_754 : vector<1x16xf32> to vector<16xf32>
    %swap3A_756 = vector.shape_cast %mul3A_750 : vector<16xf32> to vector<1x16xf32>
    tpu.vector_store %arg12[%swap3A_752, %swap3A_753], %swap3A_756 {strides = array<i32>} : memref<16x128xf32, #tpu.memory_space<vmem>>, vector<1x16xf32>,
    %get3A_757 = arith.constant 7 : i32
    %get3A_758 = arith.index_cast %get3A_757 : i32 to index
    %get3A_759 = arith.constant 48 : index
    %get3A_760 = tpu.vector_load %arg11[%get3A_758, %get3A_759] {strides = array<i32>} : memref<16x128xf32, #tpu.memory_space<vmem>>, vector<1x16xf32>,
    %get3A_761 = vector.shape_cast %get3A_760 : vector<1x16xf32> to vector<16xf32>
    %mul3A_762 = arith.mulf %get3A_761, %get3A_720 : vector<16xf32>
    %swap3A_763 = arith.constant 7 : i32
    %swap3A_764 = arith.index_cast %swap3A_763 : i32 to index
    %swap3A_765 = arith.constant 48 : index
    %swap3A_766 = tpu.vector_load %arg12[%swap3A_764, %swap3A_765] {strides = array<i32>} : memref<16x128xf32, #tpu.memory_space<vmem>>, vector<1x16xf32>,
    %swap3A_767 = vector.shape_cast %swap3A_766 : vector<1x16xf32> to vector<16xf32>
    %swap3A_768 = vector.shape_cast %mul3A_762 : vector<16xf32> to vector<1x16xf32>
    tpu.vector_store %arg12[%swap3A_764, %swap3A_765], %swap3A_768 {strides = array<i32>} : memref<16x128xf32, #tpu.memory_space<vmem>>, vector<1x16xf32>,
    %get3A_769 = arith.constant 7 : i32
    %get3A_770 = arith.index_cast %get3A_769 : i32 to index
    %get3A_771 = arith.constant 64 : index
    %get3A_772 = tpu.vector_load %arg11[%get3A_770, %get3A_771] {strides = array<i32>} : memref<16x128xf32, #tpu.memory_space<vmem>>, vector<1x16xf32>,
    %get3A_773 = vector.shape_cast %get3A_772 : vector<1x16xf32> to vector<16xf32>
    %mul3A_774 = arith.mulf %get3A_773, %get3A_720 : vector<16xf32>
    %swap3A_775 = arith.constant 7 : i32
    %swap3A_776 = arith.index_cast %swap3A_775 : i32 to index
    %swap3A_777 = arith.constant 64 : index
    %swap3A_778 = tpu.vector_load %arg12[%swap3A_776, %swap3A_777] {strides = array<i32>} : memref<16x128xf32, #tpu.memory_space<vmem>>, vector<1x16xf32>,
    %swap3A_779 = vector.shape_cast %swap3A_778 : vector<1x16xf32> to vector<16xf32>
    %swap3A_780 = vector.shape_cast %mul3A_774 : vector<16xf32> to vector<1x16xf32>
    tpu.vector_store %arg12[%swap3A_776, %swap3A_777], %swap3A_780 {strides = array<i32>} : memref<16x128xf32, #tpu.memory_space<vmem>>, vector<1x16xf32>,
    %get3A_781 = arith.constant 7 : i32
    %get3A_782 = arith.index_cast %get3A_781 : i32 to index
    %get3A_783 = arith.constant 80 : index
    %get3A_784 = tpu.vector_load %arg11[%get3A_782, %get3A_783] {strides = array<i32>} : memref<16x128xf32, #tpu.memory_space<vmem>>, vector<1x16xf32>,
    %get3A_785 = vector.shape_cast %get3A_784 : vector<1x16xf32> to vector<16xf32>
    %mul3A_786 = arith.mulf %get3A_785, %get3A_720 : vector<16xf32>
    %swap3A_787 = arith.constant 7 : i32
    %swap3A_788 = arith.index_cast %swap3A_787 : i32 to index
    %swap3A_789 = arith.constant 80 : index
    %swap3A_790 = tpu.vector_load %arg12[%swap3A_788, %swap3A_789] {strides = array<i32>} : memref<16x128xf32, #tpu.memory_space<vmem>>, vector<1x16xf32>,
    %swap3A_791 = vector.shape_cast %swap3A_790 : vector<1x16xf32> to vector<16xf32>
    %swap3A_792 = vector.shape_cast %mul3A_786 : vector<16xf32> to vector<1x16xf32>
    tpu.vector_store %arg12[%swap3A_788, %swap3A_789], %swap3A_792 {strides = array<i32>} : memref<16x128xf32, #tpu.memory_space<vmem>>, vector<1x16xf32>,
    %get3A_793 = arith.constant 7 : i32
    %get3A_794 = arith.index_cast %get3A_793 : i32 to index
    %get3A_795 = arith.constant 96 : index
    %get3A_796 = tpu.vector_load %arg11[%get3A_794, %get3A_795] {strides = array<i32>} : memref<16x128xf32, #tpu.memory_space<vmem>>, vector<1x16xf32>,
    %get3A_797 = vector.shape_cast %get3A_796 : vector<1x16xf32> to vector<16xf32>
    %mul3A_798 = arith.mulf %get3A_797, %get3A_720 : vector<16xf32>
    %swap3A_799 = arith.constant 7 : i32
    %swap3A_800 = arith.index_cast %swap3A_799 : i32 to index
    %swap3A_801 = arith.constant 96 : index
    %swap3A_802 = tpu.vector_load %arg12[%swap3A_800, %swap3A_801] {strides = array<i32>} : memref<16x128xf32, #tpu.memory_space<vmem>>, vector<1x16xf32>,
    %swap3A_803 = vector.shape_cast %swap3A_802 : vector<1x16xf32> to vector<16xf32>
    %swap3A_804 = vector.shape_cast %mul3A_798 : vector<16xf32> to vector<1x16xf32>
    tpu.vector_store %arg12[%swap3A_800, %swap3A_801], %swap3A_804 {strides = array<i32>} : memref<16x128xf32, #tpu.memory_space<vmem>>, vector<1x16xf32>,
    %get3A_805 = arith.constant 7 : i32
    %get3A_806 = arith.index_cast %get3A_805 : i32 to index
    %get3A_807 = arith.constant 112 : index
    %get3A_808 = tpu.vector_load %arg11[%get3A_806, %get3A_807] {strides = array<i32>} : memref<16x128xf32, #tpu.memory_space<vmem>>, vector<1x16xf32>,
    %get3A_809 = vector.shape_cast %get3A_808 : vector<1x16xf32> to vector<16xf32>
    %mul3A_810 = arith.mulf %get3A_809, %get3A_720 : vector<16xf32>
    %swap3A_811 = arith.constant 7 : i32
    %swap3A_812 = arith.index_cast %swap3A_811 : i32 to index
    %swap3A_813 = arith.constant 112 : index
    %swap3A_814 = tpu.vector_load %arg12[%swap3A_812, %swap3A_813] {strides = array<i32>} : memref<16x128xf32, #tpu.memory_space<vmem>>, vector<1x16xf32>,
    %swap3A_815 = vector.shape_cast %swap3A_814 : vector<1x16xf32> to vector<16xf32>
    %swap3A_816 = vector.shape_cast %mul3A_810 : vector<16xf32> to vector<1x16xf32>
    tpu.vector_store %arg12[%swap3A_812, %swap3A_813], %swap3A_816 {strides = array<i32>} : memref<16x128xf32, #tpu.memory_space<vmem>>, vector<1x16xf32>,
    %get3A_817 = arith.constant 8 : i32
    %get3A_818 = arith.index_cast %get3A_817 : i32 to index
    %get3A_819 = arith.constant 0 : index
    %get3A_820 = tpu.vector_load %arg8[%get3A_818, %get3A_819] {strides = array<i32>} : memref<16x16xf32, #tpu.memory_space<vmem>>, vector<1x16xf32>,
    %get3A_821 = vector.shape_cast %get3A_820 : vector<1x16xf32> to vector<16xf32>
    %get3A_822 = arith.constant 8 : i32
    %get3A_823 = arith.index_cast %get3A_822 : i32 to index
    %get3A_824 = arith.constant 0 : index
    %get3A_825 = tpu.vector_load %arg11[%get3A_823, %get3A_824] {strides = array<i32>} : memref<16x128xf32, #tpu.memory_space<vmem>>, vector<1x16xf32>,
    %get3A_826 = vector.shape_cast %get3A_825 : vector<1x16xf32> to vector<16xf32>
    %mul3A_827 = arith.mulf %get3A_826, %get3A_821 : vector<16xf32>
    %swap3A_828 = arith.constant 8 : i32
    %swap3A_829 = arith.index_cast %swap3A_828 : i32 to index
    %swap3A_830 = arith.constant 0 : index
    %swap3A_831 = tpu.vector_load %arg12[%swap3A_829, %swap3A_830] {strides = array<i32>} : memref<16x128xf32, #tpu.memory_space<vmem>>, vector<1x16xf32>,
    %swap3A_832 = vector.shape_cast %swap3A_831 : vector<1x16xf32> to vector<16xf32>
    %swap3A_833 = vector.shape_cast %mul3A_827 : vector<16xf32> to vector<1x16xf32>
    tpu.vector_store %arg12[%swap3A_829, %swap3A_830], %swap3A_833 {strides = array<i32>} : memref<16x128xf32, #tpu.memory_space<vmem>>, vector<1x16xf32>,
    %get3A_834 = arith.constant 8 : i32
    %get3A_835 = arith.index_cast %get3A_834 : i32 to index
    %get3A_836 = arith.constant 16 : index
    %get3A_837 = tpu.vector_load %arg11[%get3A_835, %get3A_836] {strides = array<i32>} : memref<16x128xf32, #tpu.memory_space<vmem>>, vector<1x16xf32>,
    %get3A_838 = vector.shape_cast %get3A_837 : vector<1x16xf32> to vector<16xf32>
    %mul3A_839 = arith.mulf %get3A_838, %get3A_821 : vector<16xf32>
    %swap3A_840 = arith.constant 8 : i32
    %swap3A_841 = arith.index_cast %swap3A_840 : i32 to index
    %swap3A_842 = arith.constant 16 : index
    %swap3A_843 = tpu.vector_load %arg12[%swap3A_841, %swap3A_842] {strides = array<i32>} : memref<16x128xf32, #tpu.memory_space<vmem>>, vector<1x16xf32>,
    %swap3A_844 = vector.shape_cast %swap3A_843 : vector<1x16xf32> to vector<16xf32>
    %swap3A_845 = vector.shape_cast %mul3A_839 : vector<16xf32> to vector<1x16xf32>
    tpu.vector_store %arg12[%swap3A_841, %swap3A_842], %swap3A_845 {strides = array<i32>} : memref<16x128xf32, #tpu.memory_space<vmem>>, vector<1x16xf32>,
    %get3A_846 = arith.constant 8 : i32
    %get3A_847 = arith.index_cast %get3A_846 : i32 to index
    %get3A_848 = arith.constant 32 : index
    %get3A_849 = tpu.vector_load %arg11[%get3A_847, %get3A_848] {strides = array<i32>} : memref<16x128xf32, #tpu.memory_space<vmem>>, vector<1x16xf32>,
    %get3A_850 = vector.shape_cast %get3A_849 : vector<1x16xf32> to vector<16xf32>
    %mul3A_851 = arith.mulf %get3A_850, %get3A_821 : vector<16xf32>
    %swap3A_852 = arith.constant 8 : i32
    %swap3A_853 = arith.index_cast %swap3A_852 : i32 to index
    %swap3A_854 = arith.constant 32 : index
    %swap3A_855 = tpu.vector_load %arg12[%swap3A_853, %swap3A_854] {strides = array<i32>} : memref<16x128xf32, #tpu.memory_space<vmem>>, vector<1x16xf32>,
    %swap3A_856 = vector.shape_cast %swap3A_855 : vector<1x16xf32> to vector<16xf32>
    %swap3A_857 = vector.shape_cast %mul3A_851 : vector<16xf32> to vector<1x16xf32>
    tpu.vector_store %arg12[%swap3A_853, %swap3A_854], %swap3A_857 {strides = array<i32>} : memref<16x128xf32, #tpu.memory_space<vmem>>, vector<1x16xf32>,
    %get3A_858 = arith.constant 8 : i32
    %get3A_859 = arith.index_cast %get3A_858 : i32 to index
    %get3A_860 = arith.constant 48 : index
    %get3A_861 = tpu.vector_load %arg11[%get3A_859, %get3A_860] {strides = array<i32>} : memref<16x128xf32, #tpu.memory_space<vmem>>, vector<1x16xf32>,
    %get3A_862 = vector.shape_cast %get3A_861 : vector<1x16xf32> to vector<16xf32>
    %mul3A_863 = arith.mulf %get3A_862, %get3A_821 : vector<16xf32>
    %swap3A_864 = arith.constant 8 : i32
    %swap3A_865 = arith.index_cast %swap3A_864 : i32 to index
    %swap3A_866 = arith.constant 48 : index
    %swap3A_867 = tpu.vector_load %arg12[%swap3A_865, %swap3A_866] {strides = array<i32>} : memref<16x128xf32, #tpu.memory_space<vmem>>, vector<1x16xf32>,
    %swap3A_868 = vector.shape_cast %swap3A_867 : vector<1x16xf32> to vector<16xf32>
    %swap3A_869 = vector.shape_cast %mul3A_863 : vector<16xf32> to vector<1x16xf32>
    tpu.vector_store %arg12[%swap3A_865, %swap3A_866], %swap3A_869 {strides = array<i32>} : memref<16x128xf32, #tpu.memory_space<vmem>>, vector<1x16xf32>,
    %get3A_870 = arith.constant 8 : i32
    %get3A_871 = arith.index_cast %get3A_870 : i32 to index
    %get3A_872 = arith.constant 64 : index
    %get3A_873 = tpu.vector_load %arg11[%get3A_871, %get3A_872] {strides = array<i32>} : memref<16x128xf32, #tpu.memory_space<vmem>>, vector<1x16xf32>,
    %get3A_874 = vector.shape_cast %get3A_873 : vector<1x16xf32> to vector<16xf32>
    %mul3A_875 = arith.mulf %get3A_874, %get3A_821 : vector<16xf32>
    %swap3A_876 = arith.constant 8 : i32
    %swap3A_877 = arith.index_cast %swap3A_876 : i32 to index
    %swap3A_878 = arith.constant 64 : index
    %swap3A_879 = tpu.vector_load %arg12[%swap3A_877, %swap3A_878] {strides = array<i32>} : memref<16x128xf32, #tpu.memory_space<vmem>>, vector<1x16xf32>,
    %swap3A_880 = vector.shape_cast %swap3A_879 : vector<1x16xf32> to vector<16xf32>
    %swap3A_881 = vector.shape_cast %mul3A_875 : vector<16xf32> to vector<1x16xf32>
    tpu.vector_store %arg12[%swap3A_877, %swap3A_878], %swap3A_881 {strides = array<i32>} : memref<16x128xf32, #tpu.memory_space<vmem>>, vector<1x16xf32>,
    %get3A_882 = arith.constant 8 : i32
    %get3A_883 = arith.index_cast %get3A_882 : i32 to index
    %get3A_884 = arith.constant 80 : index
    %get3A_885 = tpu.vector_load %arg11[%get3A_883, %get3A_884] {strides = array<i32>} : memref<16x128xf32, #tpu.memory_space<vmem>>, vector<1x16xf32>,
    %get3A_886 = vector.shape_cast %get3A_885 : vector<1x16xf32> to vector<16xf32>
    %mul3A_887 = arith.mulf %get3A_886, %get3A_821 : vector<16xf32>
    %swap3A_888 = arith.constant 8 : i32
    %swap3A_889 = arith.index_cast %swap3A_888 : i32 to index
    %swap3A_890 = arith.constant 80 : index
    %swap3A_891 = tpu.vector_load %arg12[%swap3A_889, %swap3A_890] {strides = array<i32>} : memref<16x128xf32, #tpu.memory_space<vmem>>, vector<1x16xf32>,
    %swap3A_892 = vector.shape_cast %swap3A_891 : vector<1x16xf32> to vector<16xf32>
    %swap3A_893 = vector.shape_cast %mul3A_887 : vector<16xf32> to vector<1x16xf32>
    tpu.vector_store %arg12[%swap3A_889, %swap3A_890], %swap3A_893 {strides = array<i32>} : memref<16x128xf32, #tpu.memory_space<vmem>>, vector<1x16xf32>,
    %get3A_894 = arith.constant 8 : i32
    %get3A_895 = arith.index_cast %get3A_894 : i32 to index
    %get3A_896 = arith.constant 96 : index
    %get3A_897 = tpu.vector_load %arg11[%get3A_895, %get3A_896] {strides = array<i32>} : memref<16x128xf32, #tpu.memory_space<vmem>>, vector<1x16xf32>,
    %get3A_898 = vector.shape_cast %get3A_897 : vector<1x16xf32> to vector<16xf32>
    %mul3A_899 = arith.mulf %get3A_898, %get3A_821 : vector<16xf32>
    %swap3A_900 = arith.constant 8 : i32
    %swap3A_901 = arith.index_cast %swap3A_900 : i32 to index
    %swap3A_902 = arith.constant 96 : index
    %swap3A_903 = tpu.vector_load %arg12[%swap3A_901, %swap3A_902] {strides = array<i32>} : memref<16x128xf32, #tpu.memory_space<vmem>>, vector<1x16xf32>,
    %swap3A_904 = vector.shape_cast %swap3A_903 : vector<1x16xf32> to vector<16xf32>
    %swap3A_905 = vector.shape_cast %mul3A_899 : vector<16xf32> to vector<1x16xf32>
    tpu.vector_store %arg12[%swap3A_901, %swap3A_902], %swap3A_905 {strides = array<i32>} : memref<16x128xf32, #tpu.memory_space<vmem>>, vector<1x16xf32>,
    %get3A_906 = arith.constant 8 : i32
    %get3A_907 = arith.index_cast %get3A_906 : i32 to index
    %get3A_908 = arith.constant 112 : index
    %get3A_909 = tpu.vector_load %arg11[%get3A_907, %get3A_908] {strides = array<i32>} : memref<16x128xf32, #tpu.memory_space<vmem>>, vector<1x16xf32>,
    %get3A_910 = vector.shape_cast %get3A_909 : vector<1x16xf32> to vector<16xf32>
    %mul3A_911 = arith.mulf %get3A_910, %get3A_821 : vector<16xf32>
    %swap3A_912 = arith.constant 8 : i32
    %swap3A_913 = arith.index_cast %swap3A_912 : i32 to index
    %swap3A_914 = arith.constant 112 : index
    %swap3A_915 = tpu.vector_load %arg12[%swap3A_913, %swap3A_914] {strides = array<i32>} : memref<16x128xf32, #tpu.memory_space<vmem>>, vector<1x16xf32>,
    %swap3A_916 = vector.shape_cast %swap3A_915 : vector<1x16xf32> to vector<16xf32>
    %swap3A_917 = vector.shape_cast %mul3A_911 : vector<16xf32> to vector<1x16xf32>
    tpu.vector_store %arg12[%swap3A_913, %swap3A_914], %swap3A_917 {strides = array<i32>} : memref<16x128xf32, #tpu.memory_space<vmem>>, vector<1x16xf32>,
    %get3A_918 = arith.constant 9 : i32
    %get3A_919 = arith.index_cast %get3A_918 : i32 to index
    %get3A_920 = arith.constant 0 : index
    %get3A_921 = tpu.vector_load %arg8[%get3A_919, %get3A_920] {strides = array<i32>} : memref<16x16xf32, #tpu.memory_space<vmem>>, vector<1x16xf32>,
    %get3A_922 = vector.shape_cast %get3A_921 : vector<1x16xf32> to vector<16xf32>
    %get3A_923 = arith.constant 9 : i32
    %get3A_924 = arith.index_cast %get3A_923 : i32 to index
    %get3A_925 = arith.constant 0 : index
    %get3A_926 = tpu.vector_load %arg11[%get3A_924, %get3A_925] {strides = array<i32>} : memref<16x128xf32, #tpu.memory_space<vmem>>, vector<1x16xf32>,
    %get3A_927 = vector.shape_cast %get3A_926 : vector<1x16xf32> to vector<16xf32>
    %mul3A_928 = arith.mulf %get3A_927, %get3A_922 : vector<16xf32>
    %swap3A_929 = arith.constant 9 : i32
    %swap3A_930 = arith.index_cast %swap3A_929 : i32 to index
    %swap3A_931 = arith.constant 0 : index
    %swap3A_932 = tpu.vector_load %arg12[%swap3A_930, %swap3A_931] {strides = array<i32>} : memref<16x128xf32, #tpu.memory_space<vmem>>, vector<1x16xf32>,
    %swap3A_933 = vector.shape_cast %swap3A_932 : vector<1x16xf32> to vector<16xf32>
    %swap3A_934 = vector.shape_cast %mul3A_928 : vector<16xf32> to vector<1x16xf32>
    tpu.vector_store %arg12[%swap3A_930, %swap3A_931], %swap3A_934 {strides = array<i32>} : memref<16x128xf32, #tpu.memory_space<vmem>>, vector<1x16xf32>,
    %get3A_935 = arith.constant 9 : i32
    %get3A_936 = arith.index_cast %get3A_935 : i32 to index
    %get3A_937 = arith.constant 16 : index
    %get3A_938 = tpu.vector_load %arg11[%get3A_936, %get3A_937] {strides = array<i32>} : memref<16x128xf32, #tpu.memory_space<vmem>>, vector<1x16xf32>,
    %get3A_939 = vector.shape_cast %get3A_938 : vector<1x16xf32> to vector<16xf32>
    %mul3A_940 = arith.mulf %get3A_939, %get3A_922 : vector<16xf32>
    %swap3A_941 = arith.constant 9 : i32
    %swap3A_942 = arith.index_cast %swap3A_941 : i32 to index
    %swap3A_943 = arith.constant 16 : index
    %swap3A_944 = tpu.vector_load %arg12[%swap3A_942, %swap3A_943] {strides = array<i32>} : memref<16x128xf32, #tpu.memory_space<vmem>>, vector<1x16xf32>,
    %swap3A_945 = vector.shape_cast %swap3A_944 : vector<1x16xf32> to vector<16xf32>
    %swap3A_946 = vector.shape_cast %mul3A_940 : vector<16xf32> to vector<1x16xf32>
    tpu.vector_store %arg12[%swap3A_942, %swap3A_943], %swap3A_946 {strides = array<i32>} : memref<16x128xf32, #tpu.memory_space<vmem>>, vector<1x16xf32>,
    %get3A_947 = arith.constant 9 : i32
    %get3A_948 = arith.index_cast %get3A_947 : i32 to index
    %get3A_949 = arith.constant 32 : index
    %get3A_950 = tpu.vector_load %arg11[%get3A_948, %get3A_949] {strides = array<i32>} : memref<16x128xf32, #tpu.memory_space<vmem>>, vector<1x16xf32>,
    %get3A_951 = vector.shape_cast %get3A_950 : vector<1x16xf32> to vector<16xf32>
    %mul3A_952 = arith.mulf %get3A_951, %get3A_922 : vector<16xf32>
    %swap3A_953 = arith.constant 9 : i32
    %swap3A_954 = arith.index_cast %swap3A_953 : i32 to index
    %swap3A_955 = arith.constant 32 : index
    %swap3A_956 = tpu.vector_load %arg12[%swap3A_954, %swap3A_955] {strides = array<i32>} : memref<16x128xf32, #tpu.memory_space<vmem>>, vector<1x16xf32>,
    %swap3A_957 = vector.shape_cast %swap3A_956 : vector<1x16xf32> to vector<16xf32>
    %swap3A_958 = vector.shape_cast %mul3A_952 : vector<16xf32> to vector<1x16xf32>
    tpu.vector_store %arg12[%swap3A_954, %swap3A_955], %swap3A_958 {strides = array<i32>} : memref<16x128xf32, #tpu.memory_space<vmem>>, vector<1x16xf32>,
    %get3A_959 = arith.constant 9 : i32
    %get3A_960 = arith.index_cast %get3A_959 : i32 to index
    %get3A_961 = arith.constant 48 : index
    %get3A_962 = tpu.vector_load %arg11[%get3A_960, %get3A_961] {strides = array<i32>} : memref<16x128xf32, #tpu.memory_space<vmem>>, vector<1x16xf32>,
    %get3A_963 = vector.shape_cast %get3A_962 : vector<1x16xf32> to vector<16xf32>
    %mul3A_964 = arith.mulf %get3A_963, %get3A_922 : vector<16xf32>
    %swap3A_965 = arith.constant 9 : i32
    %swap3A_966 = arith.index_cast %swap3A_965 : i32 to index
    %swap3A_967 = arith.constant 48 : index
    %swap3A_968 = tpu.vector_load %arg12[%swap3A_966, %swap3A_967] {strides = array<i32>} : memref<16x128xf32, #tpu.memory_space<vmem>>, vector<1x16xf32>,
    %swap3A_969 = vector.shape_cast %swap3A_968 : vector<1x16xf32> to vector<16xf32>
    %swap3A_970 = vector.shape_cast %mul3A_964 : vector<16xf32> to vector<1x16xf32>
    tpu.vector_store %arg12[%swap3A_966, %swap3A_967], %swap3A_970 {strides = array<i32>} : memref<16x128xf32, #tpu.memory_space<vmem>>, vector<1x16xf32>,
    %get3A_971 = arith.constant 9 : i32
    %get3A_972 = arith.index_cast %get3A_971 : i32 to index
    %get3A_973 = arith.constant 64 : index
    %get3A_974 = tpu.vector_load %arg11[%get3A_972, %get3A_973] {strides = array<i32>} : memref<16x128xf32, #tpu.memory_space<vmem>>, vector<1x16xf32>,
    %get3A_975 = vector.shape_cast %get3A_974 : vector<1x16xf32> to vector<16xf32>
    %mul3A_976 = arith.mulf %get3A_975, %get3A_922 : vector<16xf32>
    %swap3A_977 = arith.constant 9 : i32
    %swap3A_978 = arith.index_cast %swap3A_977 : i32 to index
    %swap3A_979 = arith.constant 64 : index
    %swap3A_980 = tpu.vector_load %arg12[%swap3A_978, %swap3A_979] {strides = array<i32>} : memref<16x128xf32, #tpu.memory_space<vmem>>, vector<1x16xf32>,
    %swap3A_981 = vector.shape_cast %swap3A_980 : vector<1x16xf32> to vector<16xf32>
    %swap3A_982 = vector.shape_cast %mul3A_976 : vector<16xf32> to vector<1x16xf32>
    tpu.vector_store %arg12[%swap3A_978, %swap3A_979], %swap3A_982 {strides = array<i32>} : memref<16x128xf32, #tpu.memory_space<vmem>>, vector<1x16xf32>,
    %get3A_983 = arith.constant 9 : i32
    %get3A_984 = arith.index_cast %get3A_983 : i32 to index
    %get3A_985 = arith.constant 80 : index
    %get3A_986 = tpu.vector_load %arg11[%get3A_984, %get3A_985] {strides = array<i32>} : memref<16x128xf32, #tpu.memory_space<vmem>>, vector<1x16xf32>,
    %get3A_987 = vector.shape_cast %get3A_986 : vector<1x16xf32> to vector<16xf32>
    %mul3A_988 = arith.mulf %get3A_987, %get3A_922 : vector<16xf32>
    %swap3A_989 = arith.constant 9 : i32
    %swap3A_990 = arith.index_cast %swap3A_989 : i32 to index
    %swap3A_991 = arith.constant 80 : index
    %swap3A_992 = tpu.vector_load %arg12[%swap3A_990, %swap3A_991] {strides = array<i32>} : memref<16x128xf32, #tpu.memory_space<vmem>>, vector<1x16xf32>,
    %swap3A_993 = vector.shape_cast %swap3A_992 : vector<1x16xf32> to vector<16xf32>
    %swap3A_994 = vector.shape_cast %mul3A_988 : vector<16xf32> to vector<1x16xf32>
    tpu.vector_store %arg12[%swap3A_990, %swap3A_991], %swap3A_994 {strides = array<i32>} : memref<16x128xf32, #tpu.memory_space<vmem>>, vector<1x16xf32>,
    %get3A_995 = arith.constant 9 : i32
    %get3A_996 = arith.index_cast %get3A_995 : i32 to index
    %get3A_997 = arith.constant 96 : index
    %get3A_998 = tpu.vector_load %arg11[%get3A_996, %get3A_997] {strides = array<i32>} : memref<16x128xf32, #tpu.memory_space<vmem>>, vector<1x16xf32>,
    %get3A_999 = vector.shape_cast %get3A_998 : vector<1x16xf32> to vector<16xf32>
    %mul3A_1000 = arith.mulf %get3A_999, %get3A_922 : vector<16xf32>
    %swap3A_1001 = arith.constant 9 : i32
    %swap3A_1002 = arith.index_cast %swap3A_1001 : i32 to index
    %swap3A_1003 = arith.constant 96 : index
    %swap3A_1004 = tpu.vector_load %arg12[%swap3A_1002, %swap3A_1003] {strides = array<i32>} : memref<16x128xf32, #tpu.memory_space<vmem>>, vector<1x16xf32>,
    %swap3A_1005 = vector.shape_cast %swap3A_1004 : vector<1x16xf32> to vector<16xf32>
    %swap3A_1006 = vector.shape_cast %mul3A_1000 : vector<16xf32> to vector<1x16xf32>
    tpu.vector_store %arg12[%swap3A_1002, %swap3A_1003], %swap3A_1006 {strides = array<i32>} : memref<16x128xf32, #tpu.memory_space<vmem>>, vector<1x16xf32>,
    %get3A_1007 = arith.constant 9 : i32
    %get3A_1008 = arith.index_cast %get3A_1007 : i32 to index
    %get3A_1009 = arith.constant 112 : index
    %get3A_1010 = tpu.vector_load %arg11[%get3A_1008, %get3A_1009] {strides = array<i32>} : memref<16x128xf32, #tpu.memory_space<vmem>>, vector<1x16xf32>,
    %get3A_1011 = vector.shape_cast %get3A_1010 : vector<1x16xf32> to vector<16xf32>
    %mul3A_1012 = arith.mulf %get3A_1011, %get3A_922 : vector<16xf32>
    %swap3A_1013 = arith.constant 9 : i32
    %swap3A_1014 = arith.index_cast %swap3A_1013 : i32 to index
    %swap3A_1015 = arith.constant 112 : index
    %swap3A_1016 = tpu.vector_load %arg12[%swap3A_1014, %swap3A_1015] {strides = array<i32>} : memref<16x128xf32, #tpu.memory_space<vmem>>, vector<1x16xf32>,
    %swap3A_1017 = vector.shape_cast %swap3A_1016 : vector<1x16xf32> to vector<16xf32>
    %swap3A_1018 = vector.shape_cast %mul3A_1012 : vector<16xf32> to vector<1x16xf32>
    tpu.vector_store %arg12[%swap3A_1014, %swap3A_1015], %swap3A_1018 {strides = array<i32>} : memref<16x128xf32, #tpu.memory_space<vmem>>, vector<1x16xf32>,
    %get3A_1019 = arith.constant 10 : i32
    %get3A_1020 = arith.index_cast %get3A_1019 : i32 to index
    %get3A_1021 = arith.constant 0 : index
    %get3A_1022 = tpu.vector_load %arg8[%get3A_1020, %get3A_1021] {strides = array<i32>} : memref<16x16xf32, #tpu.memory_space<vmem>>, vector<1x16xf32>,
    %get3A_1023 = vector.shape_cast %get3A_1022 : vector<1x16xf32> to vector<16xf32>
    %get3A_1024 = arith.constant 10 : i32
    %get3A_1025 = arith.index_cast %get3A_1024 : i32 to index
    %get3A_1026 = arith.constant 0 : index
    %get3A_1027 = tpu.vector_load %arg11[%get3A_1025, %get3A_1026] {strides = array<i32>} : memref<16x128xf32, #tpu.memory_space<vmem>>, vector<1x16xf32>,
    %get3A_1028 = vector.shape_cast %get3A_1027 : vector<1x16xf32> to vector<16xf32>
    %mul3A_1029 = arith.mulf %get3A_1028, %get3A_1023 : vector<16xf32>
    %swap3A_1030 = arith.constant 10 : i32
    %swap3A_1031 = arith.index_cast %swap3A_1030 : i32 to index
    %swap3A_1032 = arith.constant 0 : index
    %swap3A_1033 = tpu.vector_load %arg12[%swap3A_1031, %swap3A_1032] {strides = array<i32>} : memref<16x128xf32, #tpu.memory_space<vmem>>, vector<1x16xf32>,
    %swap3A_1034 = vector.shape_cast %swap3A_1033 : vector<1x16xf32> to vector<16xf32>
    %swap3A_1035 = vector.shape_cast %mul3A_1029 : vector<16xf32> to vector<1x16xf32>
    tpu.vector_store %arg12[%swap3A_1031, %swap3A_1032], %swap3A_1035 {strides = array<i32>} : memref<16x128xf32, #tpu.memory_space<vmem>>, vector<1x16xf32>,
    %get3A_1036 = arith.constant 10 : i32
    %get3A_1037 = arith.index_cast %get3A_1036 : i32 to index
    %get3A_1038 = arith.constant 16 : index
    %get3A_1039 = tpu.vector_load %arg11[%get3A_1037, %get3A_1038] {strides = array<i32>} : memref<16x128xf32, #tpu.memory_space<vmem>>, vector<1x16xf32>,
    %get3A_1040 = vector.shape_cast %get3A_1039 : vector<1x16xf32> to vector<16xf32>
    %mul3A_1041 = arith.mulf %get3A_1040, %get3A_1023 : vector<16xf32>
    %swap3A_1042 = arith.constant 10 : i32
    %swap3A_1043 = arith.index_cast %swap3A_1042 : i32 to index
    %swap3A_1044 = arith.constant 16 : index
    %swap3A_1045 = tpu.vector_load %arg12[%swap3A_1043, %swap3A_1044] {strides = array<i32>} : memref<16x128xf32, #tpu.memory_space<vmem>>, vector<1x16xf32>,
    %swap3A_1046 = vector.shape_cast %swap3A_1045 : vector<1x16xf32> to vector<16xf32>
    %swap3A_1047 = vector.shape_cast %mul3A_1041 : vector<16xf32> to vector<1x16xf32>
    tpu.vector_store %arg12[%swap3A_1043, %swap3A_1044], %swap3A_1047 {strides = array<i32>} : memref<16x128xf32, #tpu.memory_space<vmem>>, vector<1x16xf32>,
    %get3A_1048 = arith.constant 10 : i32
    %get3A_1049 = arith.index_cast %get3A_1048 : i32 to index
    %get3A_1050 = arith.constant 32 : index
    %get3A_1051 = tpu.vector_load %arg11[%get3A_1049, %get3A_1050] {strides = array<i32>} : memref<16x128xf32, #tpu.memory_space<vmem>>, vector<1x16xf32>,
    %get3A_1052 = vector.shape_cast %get3A_1051 : vector<1x16xf32> to vector<16xf32>
    %mul3A_1053 = arith.mulf %get3A_1052, %get3A_1023 : vector<16xf32>
    %swap3A_1054 = arith.constant 10 : i32
    %swap3A_1055 = arith.index_cast %swap3A_1054 : i32 to index
    %swap3A_1056 = arith.constant 32 : index
    %swap3A_1057 = tpu.vector_load %arg12[%swap3A_1055, %swap3A_1056] {strides = array<i32>} : memref<16x128xf32, #tpu.memory_space<vmem>>, vector<1x16xf32>,
    %swap3A_1058 = vector.shape_cast %swap3A_1057 : vector<1x16xf32> to vector<16xf32>
    %swap3A_1059 = vector.shape_cast %mul3A_1053 : vector<16xf32> to vector<1x16xf32>
    tpu.vector_store %arg12[%swap3A_1055, %swap3A_1056], %swap3A_1059 {strides = array<i32>} : memref<16x128xf32, #tpu.memory_space<vmem>>, vector<1x16xf32>,
    %get3A_1060 = arith.constant 10 : i32
    %get3A_1061 = arith.index_cast %get3A_1060 : i32 to index
    %get3A_1062 = arith.constant 48 : index
    %get3A_1063 = tpu.vector_load %arg11[%get3A_1061, %get3A_1062] {strides = array<i32>} : memref<16x128xf32, #tpu.memory_space<vmem>>, vector<1x16xf32>,
    %get3A_1064 = vector.shape_cast %get3A_1063 : vector<1x16xf32> to vector<16xf32>
    %mul3A_1065 = arith.mulf %get3A_1064, %get3A_1023 : vector<16xf32>
    %swap3A_1066 = arith.constant 10 : i32
    %swap3A_1067 = arith.index_cast %swap3A_1066 : i32 to index
    %swap3A_1068 = arith.constant 48 : index
    %swap3A_1069 = tpu.vector_load %arg12[%swap3A_1067, %swap3A_1068] {strides = array<i32>} : memref<16x128xf32, #tpu.memory_space<vmem>>, vector<1x16xf32>,
    %swap3A_1070 = vector.shape_cast %swap3A_1069 : vector<1x16xf32> to vector<16xf32>
    %swap3A_1071 = vector.shape_cast %mul3A_1065 : vector<16xf32> to vector<1x16xf32>
    tpu.vector_store %arg12[%swap3A_1067, %swap3A_1068], %swap3A_1071 {strides = array<i32>} : memref<16x128xf32, #tpu.memory_space<vmem>>, vector<1x16xf32>,
    %get3A_1072 = arith.constant 10 : i32
    %get3A_1073 = arith.index_cast %get3A_1072 : i32 to index
    %get3A_1074 = arith.constant 64 : index
    %get3A_1075 = tpu.vector_load %arg11[%get3A_1073, %get3A_1074] {strides = array<i32>} : memref<16x128xf32, #tpu.memory_space<vmem>>, vector<1x16xf32>,
    %get3A_1076 = vector.shape_cast %get3A_1075 : vector<1x16xf32> to vector<16xf32>
    %mul3A_1077 = arith.mulf %get3A_1076, %get3A_1023 : vector<16xf32>
    %swap3A_1078 = arith.constant 10 : i32
    %swap3A_1079 = arith.index_cast %swap3A_1078 : i32 to index
    %swap3A_1080 = arith.constant 64 : index
    %swap3A_1081 = tpu.vector_load %arg12[%swap3A_1079, %swap3A_1080] {strides = array<i32>} : memref<16x128xf32, #tpu.memory_space<vmem>>, vector<1x16xf32>,
    %swap3A_1082 = vector.shape_cast %swap3A_1081 : vector<1x16xf32> to vector<16xf32>
    %swap3A_1083 = vector.shape_cast %mul3A_1077 : vector<16xf32> to vector<1x16xf32>
    tpu.vector_store %arg12[%swap3A_1079, %swap3A_1080], %swap3A_1083 {strides = array<i32>} : memref<16x128xf32, #tpu.memory_space<vmem>>, vector<1x16xf32>,
    %get3A_1084 = arith.constant 10 : i32
    %get3A_1085 = arith.index_cast %get3A_1084 : i32 to index
    %get3A_1086 = arith.constant 80 : index
    %get3A_1087 = tpu.vector_load %arg11[%get3A_1085, %get3A_1086] {strides = array<i32>} : memref<16x128xf32, #tpu.memory_space<vmem>>, vector<1x16xf32>,
    %get3A_1088 = vector.shape_cast %get3A_1087 : vector<1x16xf32> to vector<16xf32>
    %mul3A_1089 = arith.mulf %get3A_1088, %get3A_1023 : vector<16xf32>
    %swap3A_1090 = arith.constant 10 : i32
    %swap3A_1091 = arith.index_cast %swap3A_1090 : i32 to index
    %swap3A_1092 = arith.constant 80 : index
    %swap3A_1093 = tpu.vector_load %arg12[%swap3A_1091, %swap3A_1092] {strides = array<i32>} : memref<16x128xf32, #tpu.memory_space<vmem>>, vector<1x16xf32>,
    %swap3A_1094 = vector.shape_cast %swap3A_1093 : vector<1x16xf32> to vector<16xf32>
    %swap3A_1095 = vector.shape_cast %mul3A_1089 : vector<16xf32> to vector<1x16xf32>
    tpu.vector_store %arg12[%swap3A_1091, %swap3A_1092], %swap3A_1095 {strides = array<i32>} : memref<16x128xf32, #tpu.memory_space<vmem>>, vector<1x16xf32>,
    %get3A_1096 = arith.constant 10 : i32
    %get3A_1097 = arith.index_cast %get3A_1096 : i32 to index
    %get3A_1098 = arith.constant 96 : index
    %get3A_1099 = tpu.vector_load %arg11[%get3A_1097, %get3A_1098] {strides = array<i32>} : memref<16x128xf32, #tpu.memory_space<vmem>>, vector<1x16xf32>,
    %get3A_1100 = vector.shape_cast %get3A_1099 : vector<1x16xf32> to vector<16xf32>
    %mul3A_1101 = arith.mulf %get3A_1100, %get3A_1023 : vector<16xf32>
    %swap3A_1102 = arith.constant 10 : i32
    %swap3A_1103 = arith.index_cast %swap3A_1102 : i32 to index
    %swap3A_1104 = arith.constant 96 : index
    %swap3A_1105 = tpu.vector_load %arg12[%swap3A_1103, %swap3A_1104] {strides = array<i32>} : memref<16x128xf32, #tpu.memory_space<vmem>>, vector<1x16xf32>,
    %swap3A_1106 = vector.shape_cast %swap3A_1105 : vector<1x16xf32> to vector<16xf32>
    %swap3A_1107 = vector.shape_cast %mul3A_1101 : vector<16xf32> to vector<1x16xf32>
    tpu.vector_store %arg12[%swap3A_1103, %swap3A_1104], %swap3A_1107 {strides = array<i32>} : memref<16x128xf32, #tpu.memory_space<vmem>>, vector<1x16xf32>,
    %get3A_1108 = arith.constant 10 : i32
    %get3A_1109 = arith.index_cast %get3A_1108 : i32 to index
    %get3A_1110 = arith.constant 112 : index
    %get3A_1111 = tpu.vector_load %arg11[%get3A_1109, %get3A_1110] {strides = array<i32>} : memref<16x128xf32, #tpu.memory_space<vmem>>, vector<1x16xf32>,
    %get3A_1112 = vector.shape_cast %get3A_1111 : vector<1x16xf32> to vector<16xf32>
    %mul3A_1113 = arith.mulf %get3A_1112, %get3A_1023 : vector<16xf32>
    %swap3A_1114 = arith.constant 10 : i32
    %swap3A_1115 = arith.index_cast %swap3A_1114 : i32 to index
    %swap3A_1116 = arith.constant 112 : index
    %swap3A_1117 = tpu.vector_load %arg12[%swap3A_1115, %swap3A_1116] {strides = array<i32>} : memref<16x128xf32, #tpu.memory_space<vmem>>, vector<1x16xf32>,
    %swap3A_1118 = vector.shape_cast %swap3A_1117 : vector<1x16xf32> to vector<16xf32>
    %swap3A_1119 = vector.shape_cast %mul3A_1113 : vector<16xf32> to vector<1x16xf32>
    tpu.vector_store %arg12[%swap3A_1115, %swap3A_1116], %swap3A_1119 {strides = array<i32>} : memref<16x128xf32, #tpu.memory_space<vmem>>, vector<1x16xf32>,
    %get3A_1120 = arith.constant 11 : i32
    %get3A_1121 = arith.index_cast %get3A_1120 : i32 to index
    %get3A_1122 = arith.constant 0 : index
    %get3A_1123 = tpu.vector_load %arg8[%get3A_1121, %get3A_1122] {strides = array<i32>} : memref<16x16xf32, #tpu.memory_space<vmem>>, vector<1x16xf32>,
    %get3A_1124 = vector.shape_cast %get3A_1123 : vector<1x16xf32> to vector<16xf32>
    %get3A_1125 = arith.constant 11 : i32
    %get3A_1126 = arith.index_cast %get3A_1125 : i32 to index
    %get3A_1127 = arith.constant 0 : index
    %get3A_1128 = tpu.vector_load %arg11[%get3A_1126, %get3A_1127] {strides = array<i32>} : memref<16x128xf32, #tpu.memory_space<vmem>>, vector<1x16xf32>,
    %get3A_1129 = vector.shape_cast %get3A_1128 : vector<1x16xf32> to vector<16xf32>
    %mul3A_1130 = arith.mulf %get3A_1129, %get3A_1124 : vector<16xf32>
    %swap3A_1131 = arith.constant 11 : i32
    %swap3A_1132 = arith.index_cast %swap3A_1131 : i32 to index
    %swap3A_1133 = arith.constant 0 : index
    %swap3A_1134 = tpu.vector_load %arg12[%swap3A_1132, %swap3A_1133] {strides = array<i32>} : memref<16x128xf32, #tpu.memory_space<vmem>>, vector<1x16xf32>,
    %swap3A_1135 = vector.shape_cast %swap3A_1134 : vector<1x16xf32> to vector<16xf32>
    %swap3A_1136 = vector.shape_cast %mul3A_1130 : vector<16xf32> to vector<1x16xf32>
    tpu.vector_store %arg12[%swap3A_1132, %swap3A_1133], %swap3A_1136 {strides = array<i32>} : memref<16x128xf32, #tpu.memory_space<vmem>>, vector<1x16xf32>,
    %get3A_1137 = arith.constant 11 : i32
    %get3A_1138 = arith.index_cast %get3A_1137 : i32 to index
    %get3A_1139 = arith.constant 16 : index
    %get3A_1140 = tpu.vector_load %arg11[%get3A_1138, %get3A_1139] {strides = array<i32>} : memref<16x128xf32, #tpu.memory_space<vmem>>, vector<1x16xf32>,
    %get3A_1141 = vector.shape_cast %get3A_1140 : vector<1x16xf32> to vector<16xf32>
    %mul3A_1142 = arith.mulf %get3A_1141, %get3A_1124 : vector<16xf32>
    %swap3A_1143 = arith.constant 11 : i32
    %swap3A_1144 = arith.index_cast %swap3A_1143 : i32 to index
    %swap3A_1145 = arith.constant 16 : index
    %swap3A_1146 = tpu.vector_load %arg12[%swap3A_1144, %swap3A_1145] {strides = array<i32>} : memref<16x128xf32, #tpu.memory_space<vmem>>, vector<1x16xf32>,
    %swap3A_1147 = vector.shape_cast %swap3A_1146 : vector<1x16xf32> to vector<16xf32>
    %swap3A_1148 = vector.shape_cast %mul3A_1142 : vector<16xf32> to vector<1x16xf32>
    tpu.vector_store %arg12[%swap3A_1144, %swap3A_1145], %swap3A_1148 {strides = array<i32>} : memref<16x128xf32, #tpu.memory_space<vmem>>, vector<1x16xf32>,
    %get3A_1149 = arith.constant 11 : i32
    %get3A_1150 = arith.index_cast %get3A_1149 : i32 to index
    %get3A_1151 = arith.constant 32 : index
    %get3A_1152 = tpu.vector_load %arg11[%get3A_1150, %get3A_1151] {strides = array<i32>} : memref<16x128xf32, #tpu.memory_space<vmem>>, vector<1x16xf32>,
    %get3A_1153 = vector.shape_cast %get3A_1152 : vector<1x16xf32> to vector<16xf32>
    %mul3A_1154 = arith.mulf %get3A_1153, %get3A_1124 : vector<16xf32>
    %swap3A_1155 = arith.constant 11 : i32
    %swap3A_1156 = arith.index_cast %swap3A_1155 : i32 to index
    %swap3A_1157 = arith.constant 32 : index
    %swap3A_1158 = tpu.vector_load %arg12[%swap3A_1156, %swap3A_1157] {strides = array<i32>} : memref<16x128xf32, #tpu.memory_space<vmem>>, vector<1x16xf32>,
    %swap3A_1159 = vector.shape_cast %swap3A_1158 : vector<1x16xf32> to vector<16xf32>
    %swap3A_1160 = vector.shape_cast %mul3A_1154 : vector<16xf32> to vector<1x16xf32>
    tpu.vector_store %arg12[%swap3A_1156, %swap3A_1157], %swap3A_1160 {strides = array<i32>} : memref<16x128xf32, #tpu.memory_space<vmem>>, vector<1x16xf32>,
    %get3A_1161 = arith.constant 11 : i32
    %get3A_1162 = arith.index_cast %get3A_1161 : i32 to index
    %get3A_1163 = arith.constant 48 : index
    %get3A_1164 = tpu.vector_load %arg11[%get3A_1162, %get3A_1163] {strides = array<i32>} : memref<16x128xf32, #tpu.memory_space<vmem>>, vector<1x16xf32>,
    %get3A_1165 = vector.shape_cast %get3A_1164 : vector<1x16xf32> to vector<16xf32>
    %mul3A_1166 = arith.mulf %get3A_1165, %get3A_1124 : vector<16xf32>
    %swap3A_1167 = arith.constant 11 : i32
    %swap3A_1168 = arith.index_cast %swap3A_1167 : i32 to index
    %swap3A_1169 = arith.constant 48 : index
    %swap3A_1170 = tpu.vector_load %arg12[%swap3A_1168, %swap3A_1169] {strides = array<i32>} : memref<16x128xf32, #tpu.memory_space<vmem>>, vector<1x16xf32>,
    %swap3A_1171 = vector.shape_cast %swap3A_1170 : vector<1x16xf32> to vector<16xf32>
    %swap3A_1172 = vector.shape_cast %mul3A_1166 : vector<16xf32> to vector<1x16xf32>
    tpu.vector_store %arg12[%swap3A_1168, %swap3A_1169], %swap3A_1172 {strides = array<i32>} : memref<16x128xf32, #tpu.memory_space<vmem>>, vector<1x16xf32>,
    %get3A_1173 = arith.constant 11 : i32
    %get3A_1174 = arith.index_cast %get3A_1173 : i32 to index
    %get3A_1175 = arith.constant 64 : index
    %get3A_1176 = tpu.vector_load %arg11[%get3A_1174, %get3A_1175] {strides = array<i32>} : memref<16x128xf32, #tpu.memory_space<vmem>>, vector<1x16xf32>,
    %get3A_1177 = vector.shape_cast %get3A_1176 : vector<1x16xf32> to vector<16xf32>
    %mul3A_1178 = arith.mulf %get3A_1177, %get3A_1124 : vector<16xf32>
    %swap3A_1179 = arith.constant 11 : i32
    %swap3A_1180 = arith.index_cast %swap3A_1179 : i32 to index
    %swap3A_1181 = arith.constant 64 : index
    %swap3A_1182 = tpu.vector_load %arg12[%swap3A_1180, %swap3A_1181] {strides = array<i32>} : memref<16x128xf32, #tpu.memory_space<vmem>>, vector<1x16xf32>,
    %swap3A_1183 = vector.shape_cast %swap3A_1182 : vector<1x16xf32> to vector<16xf32>
    %swap3A_1184 = vector.shape_cast %mul3A_1178 : vector<16xf32> to vector<1x16xf32>
    tpu.vector_store %arg12[%swap3A_1180, %swap3A_1181], %swap3A_1184 {strides = array<i32>} : memref<16x128xf32, #tpu.memory_space<vmem>>, vector<1x16xf32>,
    %get3A_1185 = arith.constant 11 : i32
    %get3A_1186 = arith.index_cast %get3A_1185 : i32 to index
    %get3A_1187 = arith.constant 80 : index
    %get3A_1188 = tpu.vector_load %arg11[%get3A_1186, %get3A_1187] {strides = array<i32>} : memref<16x128xf32, #tpu.memory_space<vmem>>, vector<1x16xf32>,
    %get3A_1189 = vector.shape_cast %get3A_1188 : vector<1x16xf32> to vector<16xf32>
    %mul3A_1190 = arith.mulf %get3A_1189, %get3A_1124 : vector<16xf32>
    %swap3A_1191 = arith.constant 11 : i32
    %swap3A_1192 = arith.index_cast %swap3A_1191 : i32 to index
    %swap3A_1193 = arith.constant 80 : index
    %swap3A_1194 = tpu.vector_load %arg12[%swap3A_1192, %swap3A_1193] {strides = array<i32>} : memref<16x128xf32, #tpu.memory_space<vmem>>, vector<1x16xf32>,
    %swap3A_1195 = vector.shape_cast %swap3A_1194 : vector<1x16xf32> to vector<16xf32>
    %swap3A_1196 = vector.shape_cast %mul3A_1190 : vector<16xf32> to vector<1x16xf32>
    tpu.vector_store %arg12[%swap3A_1192, %swap3A_1193], %swap3A_1196 {strides = array<i32>} : memref<16x128xf32, #tpu.memory_space<vmem>>, vector<1x16xf32>,
    %get3A_1197 = arith.constant 11 : i32
    %get3A_1198 = arith.index_cast %get3A_1197 : i32 to index
    %get3A_1199 = arith.constant 96 : index
    %get3A_1200 = tpu.vector_load %arg11[%get3A_1198, %get3A_1199] {strides = array<i32>} : memref<16x128xf32, #tpu.memory_space<vmem>>, vector<1x16xf32>,
    %get3A_1201 = vector.shape_cast %get3A_1200 : vector<1x16xf32> to vector<16xf32>
    %mul3A_1202 = arith.mulf %get3A_1201, %get3A_1124 : vector<16xf32>
    %swap3A_1203 = arith.constant 11 : i32
    %swap3A_1204 = arith.index_cast %swap3A_1203 : i32 to index
    %swap3A_1205 = arith.constant 96 : index
    %swap3A_1206 = tpu.vector_load %arg12[%swap3A_1204, %swap3A_1205] {strides = array<i32>} : memref<16x128xf32, #tpu.memory_space<vmem>>, vector<1x16xf32>,
    %swap3A_1207 = vector.shape_cast %swap3A_1206 : vector<1x16xf32> to vector<16xf32>
    %swap3A_1208 = vector.shape_cast %mul3A_1202 : vector<16xf32> to vector<1x16xf32>
    tpu.vector_store %arg12[%swap3A_1204, %swap3A_1205], %swap3A_1208 {strides = array<i32>} : memref<16x128xf32, #tpu.memory_space<vmem>>, vector<1x16xf32>,
    %get3A_1209 = arith.constant 11 : i32
    %get3A_1210 = arith.index_cast %get3A_1209 : i32 to index
    %get3A_1211 = arith.constant 112 : index
    %get3A_1212 = tpu.vector_load %arg11[%get3A_1210, %get3A_1211] {strides = array<i32>} : memref<16x128xf32, #tpu.memory_space<vmem>>, vector<1x16xf32>,
    %get3A_1213 = vector.shape_cast %get3A_1212 : vector<1x16xf32> to vector<16xf32>
    %mul3A_1214 = arith.mulf %get3A_1213, %get3A_1124 : vector<16xf32>
    %swap3A_1215 = arith.constant 11 : i32
    %swap3A_1216 = arith.index_cast %swap3A_1215 : i32 to index
    %swap3A_1217 = arith.constant 112 : index
    %swap3A_1218 = tpu.vector_load %arg12[%swap3A_1216, %swap3A_1217] {strides = array<i32>} : memref<16x128xf32, #tpu.memory_space<vmem>>, vector<1x16xf32>,
    %swap3A_1219 = vector.shape_cast %swap3A_1218 : vector<1x16xf32> to vector<16xf32>
    %swap3A_1220 = vector.shape_cast %mul3A_1214 : vector<16xf32> to vector<1x16xf32>
    tpu.vector_store %arg12[%swap3A_1216, %swap3A_1217], %swap3A_1220 {strides = array<i32>} : memref<16x128xf32, #tpu.memory_space<vmem>>, vector<1x16xf32>,
    %get3A_1221 = arith.constant 12 : i32
    %get3A_1222 = arith.index_cast %get3A_1221 : i32 to index
    %get3A_1223 = arith.constant 0 : index
    %get3A_1224 = tpu.vector_load %arg8[%get3A_1222, %get3A_1223] {strides = array<i32>} : memref<16x16xf32, #tpu.memory_space<vmem>>, vector<1x16xf32>,
    %get3A_1225 = vector.shape_cast %get3A_1224 : vector<1x16xf32> to vector<16xf32>
    %get3A_1226 = arith.constant 12 : i32
    %get3A_1227 = arith.index_cast %get3A_1226 : i32 to index
    %get3A_1228 = arith.constant 0 : index
    %get3A_1229 = tpu.vector_load %arg11[%get3A_1227, %get3A_1228] {strides = array<i32>} : memref<16x128xf32, #tpu.memory_space<vmem>>, vector<1x16xf32>,
    %get3A_1230 = vector.shape_cast %get3A_1229 : vector<1x16xf32> to vector<16xf32>
    %mul3A_1231 = arith.mulf %get3A_1230, %get3A_1225 : vector<16xf32>
    %swap3A_1232 = arith.constant 12 : i32
    %swap3A_1233 = arith.index_cast %swap3A_1232 : i32 to index
    %swap3A_1234 = arith.constant 0 : index
    %swap3A_1235 = tpu.vector_load %arg12[%swap3A_1233, %swap3A_1234] {strides = array<i32>} : memref<16x128xf32, #tpu.memory_space<vmem>>, vector<1x16xf32>,
    %swap3A_1236 = vector.shape_cast %swap3A_1235 : vector<1x16xf32> to vector<16xf32>
    %swap3A_1237 = vector.shape_cast %mul3A_1231 : vector<16xf32> to vector<1x16xf32>
    tpu.vector_store %arg12[%swap3A_1233, %swap3A_1234], %swap3A_1237 {strides = array<i32>} : memref<16x128xf32, #tpu.memory_space<vmem>>, vector<1x16xf32>,
    %get3A_1238 = arith.constant 12 : i32
    %get3A_1239 = arith.index_cast %get3A_1238 : i32 to index
    %get3A_1240 = arith.constant 16 : index
    %get3A_1241 = tpu.vector_load %arg11[%get3A_1239, %get3A_1240] {strides = array<i32>} : memref<16x128xf32, #tpu.memory_space<vmem>>, vector<1x16xf32>,
    %get3A_1242 = vector.shape_cast %get3A_1241 : vector<1x16xf32> to vector<16xf32>
    %mul3A_1243 = arith.mulf %get3A_1242, %get3A_1225 : vector<16xf32>
    %swap3A_1244 = arith.constant 12 : i32
    %swap3A_1245 = arith.index_cast %swap3A_1244 : i32 to index
    %swap3A_1246 = arith.constant 16 : index
    %swap3A_1247 = tpu.vector_load %arg12[%swap3A_1245, %swap3A_1246] {strides = array<i32>} : memref<16x128xf32, #tpu.memory_space<vmem>>, vector<1x16xf32>,
    %swap3A_1248 = vector.shape_cast %swap3A_1247 : vector<1x16xf32> to vector<16xf32>
    %swap3A_1249 = vector.shape_cast %mul3A_1243 : vector<16xf32> to vector<1x16xf32>
    tpu.vector_store %arg12[%swap3A_1245, %swap3A_1246], %swap3A_1249 {strides = array<i32>} : memref<16x128xf32, #tpu.memory_space<vmem>>, vector<1x16xf32>,
    %get3A_1250 = arith.constant 12 : i32
    %get3A_1251 = arith.index_cast %get3A_1250 : i32 to index
    %get3A_1252 = arith.constant 32 : index
    %get3A_1253 = tpu.vector_load %arg11[%get3A_1251, %get3A_1252] {strides = array<i32>} : memref<16x128xf32, #tpu.memory_space<vmem>>, vector<1x16xf32>,
    %get3A_1254 = vector.shape_cast %get3A_1253 : vector<1x16xf32> to vector<16xf32>
    %mul3A_1255 = arith.mulf %get3A_1254, %get3A_1225 : vector<16xf32>
    %swap3A_1256 = arith.constant 12 : i32
    %swap3A_1257 = arith.index_cast %swap3A_1256 : i32 to index
    %swap3A_1258 = arith.constant 32 : index
    %swap3A_1259 = tpu.vector_load %arg12[%swap3A_1257, %swap3A_1258] {strides = array<i32>} : memref<16x128xf32, #tpu.memory_space<vmem>>, vector<1x16xf32>,
    %swap3A_1260 = vector.shape_cast %swap3A_1259 : vector<1x16xf32> to vector<16xf32>
    %swap3A_1261 = vector.shape_cast %mul3A_1255 : vector<16xf32> to vector<1x16xf32>
    tpu.vector_store %arg12[%swap3A_1257, %swap3A_1258], %swap3A_1261 {strides = array<i32>} : memref<16x128xf32, #tpu.memory_space<vmem>>, vector<1x16xf32>,
    %get3A_1262 = arith.constant 12 : i32
    %get3A_1263 = arith.index_cast %get3A_1262 : i32 to index
    %get3A_1264 = arith.constant 48 : index
    %get3A_1265 = tpu.vector_load %arg11[%get3A_1263, %get3A_1264] {strides = array<i32>} : memref<16x128xf32, #tpu.memory_space<vmem>>, vector<1x16xf32>,
    %get3A_1266 = vector.shape_cast %get3A_1265 : vector<1x16xf32> to vector<16xf32>
    %mul3A_1267 = arith.mulf %get3A_1266, %get3A_1225 : vector<16xf32>
    %swap3A_1268 = arith.constant 12 : i32
    %swap3A_1269 = arith.index_cast %swap3A_1268 : i32 to index
    %swap3A_1270 = arith.constant 48 : index
    %swap3A_1271 = tpu.vector_load %arg12[%swap3A_1269, %swap3A_1270] {strides = array<i32>} : memref<16x128xf32, #tpu.memory_space<vmem>>, vector<1x16xf32>,
    %swap3A_1272 = vector.shape_cast %swap3A_1271 : vector<1x16xf32> to vector<16xf32>
    %swap3A_1273 = vector.shape_cast %mul3A_1267 : vector<16xf32> to vector<1x16xf32>
    tpu.vector_store %arg12[%swap3A_1269, %swap3A_1270], %swap3A_1273 {strides = array<i32>} : memref<16x128xf32, #tpu.memory_space<vmem>>, vector<1x16xf32>,
    %get3A_1274 = arith.constant 12 : i32
    %get3A_1275 = arith.index_cast %get3A_1274 : i32 to index
    %get3A_1276 = arith.constant 64 : index
    %get3A_1277 = tpu.vector_load %arg11[%get3A_1275, %get3A_1276] {strides = array<i32>} : memref<16x128xf32, #tpu.memory_space<vmem>>, vector<1x16xf32>,
    %get3A_1278 = vector.shape_cast %get3A_1277 : vector<1x16xf32> to vector<16xf32>
    %mul3A_1279 = arith.mulf %get3A_1278, %get3A_1225 : vector<16xf32>
    %swap3A_1280 = arith.constant 12 : i32
    %swap3A_1281 = arith.index_cast %swap3A_1280 : i32 to index
    %swap3A_1282 = arith.constant 64 : index
    %swap3A_1283 = tpu.vector_load %arg12[%swap3A_1281, %swap3A_1282] {strides = array<i32>} : memref<16x128xf32, #tpu.memory_space<vmem>>, vector<1x16xf32>,
    %swap3A_1284 = vector.shape_cast %swap3A_1283 : vector<1x16xf32> to vector<16xf32>
    %swap3A_1285 = vector.shape_cast %mul3A_1279 : vector<16xf32> to vector<1x16xf32>
    tpu.vector_store %arg12[%swap3A_1281, %swap3A_1282], %swap3A_1285 {strides = array<i32>} : memref<16x128xf32, #tpu.memory_space<vmem>>, vector<1x16xf32>,
    %get3A_1286 = arith.constant 12 : i32
    %get3A_1287 = arith.index_cast %get3A_1286 : i32 to index
    %get3A_1288 = arith.constant 80 : index
    %get3A_1289 = tpu.vector_load %arg11[%get3A_1287, %get3A_1288] {strides = array<i32>} : memref<16x128xf32, #tpu.memory_space<vmem>>, vector<1x16xf32>,
    %get3A_1290 = vector.shape_cast %get3A_1289 : vector<1x16xf32> to vector<16xf32>
    %mul3A_1291 = arith.mulf %get3A_1290, %get3A_1225 : vector<16xf32>
    %swap3A_1292 = arith.constant 12 : i32
    %swap3A_1293 = arith.index_cast %swap3A_1292 : i32 to index
    %swap3A_1294 = arith.constant 80 : index
    %swap3A_1295 = tpu.vector_load %arg12[%swap3A_1293, %swap3A_1294] {strides = array<i32>} : memref<16x128xf32, #tpu.memory_space<vmem>>, vector<1x16xf32>,
    %swap3A_1296 = vector.shape_cast %swap3A_1295 : vector<1x16xf32> to vector<16xf32>
    %swap3A_1297 = vector.shape_cast %mul3A_1291 : vector<16xf32> to vector<1x16xf32>
    tpu.vector_store %arg12[%swap3A_1293, %swap3A_1294], %swap3A_1297 {strides = array<i32>} : memref<16x128xf32, #tpu.memory_space<vmem>>, vector<1x16xf32>,
    %get3A_1298 = arith.constant 12 : i32
    %get3A_1299 = arith.index_cast %get3A_1298 : i32 to index
    %get3A_1300 = arith.constant 96 : index
    %get3A_1301 = tpu.vector_load %arg11[%get3A_1299, %get3A_1300] {strides = array<i32>} : memref<16x128xf32, #tpu.memory_space<vmem>>, vector<1x16xf32>,
    %get3A_1302 = vector.shape_cast %get3A_1301 : vector<1x16xf32> to vector<16xf32>
    %mul3A_1303 = arith.mulf %get3A_1302, %get3A_1225 : vector<16xf32>
    %swap3A_1304 = arith.constant 12 : i32
    %swap3A_1305 = arith.index_cast %swap3A_1304 : i32 to index
    %swap3A_1306 = arith.constant 96 : index
    %swap3A_1307 = tpu.vector_load %arg12[%swap3A_1305, %swap3A_1306] {strides = array<i32>} : memref<16x128xf32, #tpu.memory_space<vmem>>, vector<1x16xf32>,
    %swap3A_1308 = vector.shape_cast %swap3A_1307 : vector<1x16xf32> to vector<16xf32>
    %swap3A_1309 = vector.shape_cast %mul3A_1303 : vector<16xf32> to vector<1x16xf32>
    tpu.vector_store %arg12[%swap3A_1305, %swap3A_1306], %swap3A_1309 {strides = array<i32>} : memref<16x128xf32, #tpu.memory_space<vmem>>, vector<1x16xf32>,
    %get3A_1310 = arith.constant 12 : i32
    %get3A_1311 = arith.index_cast %get3A_1310 : i32 to index
    %get3A_1312 = arith.constant 112 : index
    %get3A_1313 = tpu.vector_load %arg11[%get3A_1311, %get3A_1312] {strides = array<i32>} : memref<16x128xf32, #tpu.memory_space<vmem>>, vector<1x16xf32>,
    %get3A_1314 = vector.shape_cast %get3A_1313 : vector<1x16xf32> to vector<16xf32>
    %mul3A_1315 = arith.mulf %get3A_1314, %get3A_1225 : vector<16xf32>
    %swap3A_1316 = arith.constant 12 : i32
    %swap3A_1317 = arith.index_cast %swap3A_1316 : i32 to index
    %swap3A_1318 = arith.constant 112 : index
    %swap3A_1319 = tpu.vector_load %arg12[%swap3A_1317, %swap3A_1318] {strides = array<i32>} : memref<16x128xf32, #tpu.memory_space<vmem>>, vector<1x16xf32>,
    %swap3A_1320 = vector.shape_cast %swap3A_1319 : vector<1x16xf32> to vector<16xf32>
    %swap3A_1321 = vector.shape_cast %mul3A_1315 : vector<16xf32> to vector<1x16xf32>
    tpu.vector_store %arg12[%swap3A_1317, %swap3A_1318], %swap3A_1321 {strides = array<i32>} : memref<16x128xf32, #tpu.memory_space<vmem>>, vector<1x16xf32>,
    %get3A_1322 = arith.constant 13 : i32
    %get3A_1323 = arith.index_cast %get3A_1322 : i32 to index
    %get3A_1324 = arith.constant 0 : index
    %get3A_1325 = tpu.vector_load %arg8[%get3A_1323, %get3A_1324] {strides = array<i32>} : memref<16x16xf32, #tpu.memory_space<vmem>>, vector<1x16xf32>,
    %get3A_1326 = vector.shape_cast %get3A_1325 : vector<1x16xf32> to vector<16xf32>
    %get3A_1327 = arith.constant 13 : i32
    %get3A_1328 = arith.index_cast %get3A_1327 : i32 to index
    %get3A_1329 = arith.constant 0 : index
    %get3A_1330 = tpu.vector_load %arg11[%get3A_1328, %get3A_1329] {strides = array<i32>} : memref<16x128xf32, #tpu.memory_space<vmem>>, vector<1x16xf32>,
    %get3A_1331 = vector.shape_cast %get3A_1330 : vector<1x16xf32> to vector<16xf32>
    %mul3A_1332 = arith.mulf %get3A_1331, %get3A_1326 : vector<16xf32>
    %swap3A_1333 = arith.constant 13 : i32
    %swap3A_1334 = arith.index_cast %swap3A_1333 : i32 to index
    %swap3A_1335 = arith.constant 0 : index
    %swap3A_1336 = tpu.vector_load %arg12[%swap3A_1334, %swap3A_1335] {strides = array<i32>} : memref<16x128xf32, #tpu.memory_space<vmem>>, vector<1x16xf32>,
    %swap3A_1337 = vector.shape_cast %swap3A_1336 : vector<1x16xf32> to vector<16xf32>
    %swap3A_1338 = vector.shape_cast %mul3A_1332 : vector<16xf32> to vector<1x16xf32>
    tpu.vector_store %arg12[%swap3A_1334, %swap3A_1335], %swap3A_1338 {strides = array<i32>} : memref<16x128xf32, #tpu.memory_space<vmem>>, vector<1x16xf32>,
    %get3A_1339 = arith.constant 13 : i32
    %get3A_1340 = arith.index_cast %get3A_1339 : i32 to index
    %get3A_1341 = arith.constant 16 : index
    %get3A_1342 = tpu.vector_load %arg11[%get3A_1340, %get3A_1341] {strides = array<i32>} : memref<16x128xf32, #tpu.memory_space<vmem>>, vector<1x16xf32>,
    %get3A_1343 = vector.shape_cast %get3A_1342 : vector<1x16xf32> to vector<16xf32>
    %mul3A_1344 = arith.mulf %get3A_1343, %get3A_1326 : vector<16xf32>
    %swap3A_1345 = arith.constant 13 : i32
    %swap3A_1346 = arith.index_cast %swap3A_1345 : i32 to index
    %swap3A_1347 = arith.constant 16 : index
    %swap3A_1348 = tpu.vector_load %arg12[%swap3A_1346, %swap3A_1347] {strides = array<i32>} : memref<16x128xf32, #tpu.memory_space<vmem>>, vector<1x16xf32>,
    %swap3A_1349 = vector.shape_cast %swap3A_1348 : vector<1x16xf32> to vector<16xf32>
    %swap3A_1350 = vector.shape_cast %mul3A_1344 : vector<16xf32> to vector<1x16xf32>
    tpu.vector_store %arg12[%swap3A_1346, %swap3A_1347], %swap3A_1350 {strides = array<i32>} : memref<16x128xf32, #tpu.memory_space<vmem>>, vector<1x16xf32>,
    %get3A_1351 = arith.constant 13 : i32
    %get3A_1352 = arith.index_cast %get3A_1351 : i32 to index
    %get3A_1353 = arith.constant 32 : index
    %get3A_1354 = tpu.vector_load %arg11[%get3A_1352, %get3A_1353] {strides = array<i32>} : memref<16x128xf32, #tpu.memory_space<vmem>>, vector<1x16xf32>,
    %get3A_1355 = vector.shape_cast %get3A_1354 : vector<1x16xf32> to vector<16xf32>
    %mul3A_1356 = arith.mulf %get3A_1355, %get3A_1326 : vector<16xf32>
    %swap3A_1357 = arith.constant 13 : i32
    %swap3A_1358 = arith.index_cast %swap3A_1357 : i32 to index
    %swap3A_1359 = arith.constant 32 : index
    %swap3A_1360 = tpu.vector_load %arg12[%swap3A_1358, %swap3A_1359] {strides = array<i32>} : memref<16x128xf32, #tpu.memory_space<vmem>>, vector<1x16xf32>,
    %swap3A_1361 = vector.shape_cast %swap3A_1360 : vector<1x16xf32> to vector<16xf32>
    %swap3A_1362 = vector.shape_cast %mul3A_1356 : vector<16xf32> to vector<1x16xf32>
    tpu.vector_store %arg12[%swap3A_1358, %swap3A_1359], %swap3A_1362 {strides = array<i32>} : memref<16x128xf32, #tpu.memory_space<vmem>>, vector<1x16xf32>,
    %get3A_1363 = arith.constant 13 : i32
    %get3A_1364 = arith.index_cast %get3A_1363 : i32 to index
    %get3A_1365 = arith.constant 48 : index
    %get3A_1366 = tpu.vector_load %arg11[%get3A_1364, %get3A_1365] {strides = array<i32>} : memref<16x128xf32, #tpu.memory_space<vmem>>, vector<1x16xf32>,
    %get3A_1367 = vector.shape_cast %get3A_1366 : vector<1x16xf32> to vector<16xf32>
    %mul3A_1368 = arith.mulf %get3A_1367, %get3A_1326 : vector<16xf32>
    %swap3A_1369 = arith.constant 13 : i32
    %swap3A_1370 = arith.index_cast %swap3A_1369 : i32 to index
    %swap3A_1371 = arith.constant 48 : index
    %swap3A_1372 = tpu.vector_load %arg12[%swap3A_1370, %swap3A_1371] {strides = array<i32>} : memref<16x128xf32, #tpu.memory_space<vmem>>, vector<1x16xf32>,
    %swap3A_1373 = vector.shape_cast %swap3A_1372 : vector<1x16xf32> to vector<16xf32>
    %swap3A_1374 = vector.shape_cast %mul3A_1368 : vector<16xf32> to vector<1x16xf32>
    tpu.vector_store %arg12[%swap3A_1370, %swap3A_1371], %swap3A_1374 {strides = array<i32>} : memref<16x128xf32, #tpu.memory_space<vmem>>, vector<1x16xf32>,
    %get3A_1375 = arith.constant 13 : i32
    %get3A_1376 = arith.index_cast %get3A_1375 : i32 to index
    %get3A_1377 = arith.constant 64 : index
    %get3A_1378 = tpu.vector_load %arg11[%get3A_1376, %get3A_1377] {strides = array<i32>} : memref<16x128xf32, #tpu.memory_space<vmem>>, vector<1x16xf32>,
    %get3A_1379 = vector.shape_cast %get3A_1378 : vector<1x16xf32> to vector<16xf32>
    %mul3A_1380 = arith.mulf %get3A_1379, %get3A_1326 : vector<16xf32>
    %swap3A_1381 = arith.constant 13 : i32
    %swap3A_1382 = arith.index_cast %swap3A_1381 : i32 to index
    %swap3A_1383 = arith.constant 64 : index
    %swap3A_1384 = tpu.vector_load %arg12[%swap3A_1382, %swap3A_1383] {strides = array<i32>} : memref<16x128xf32, #tpu.memory_space<vmem>>, vector<1x16xf32>,
    %swap3A_1385 = vector.shape_cast %swap3A_1384 : vector<1x16xf32> to vector<16xf32>
    %swap3A_1386 = vector.shape_cast %mul3A_1380 : vector<16xf32> to vector<1x16xf32>
    tpu.vector_store %arg12[%swap3A_1382, %swap3A_1383], %swap3A_1386 {strides = array<i32>} : memref<16x128xf32, #tpu.memory_space<vmem>>, vector<1x16xf32>,
    %get3A_1387 = arith.constant 13 : i32
    %get3A_1388 = arith.index_cast %get3A_1387 : i32 to index
    %get3A_1389 = arith.constant 80 : index
    %get3A_1390 = tpu.vector_load %arg11[%get3A_1388, %get3A_1389] {strides = array<i32>} : memref<16x128xf32, #tpu.memory_space<vmem>>, vector<1x16xf32>,
    %get3A_1391 = vector.shape_cast %get3A_1390 : vector<1x16xf32> to vector<16xf32>
    %mul3A_1392 = arith.mulf %get3A_1391, %get3A_1326 : vector<16xf32>
    %swap3A_1393 = arith.constant 13 : i32
    %swap3A_1394 = arith.index_cast %swap3A_1393 : i32 to index
    %swap3A_1395 = arith.constant 80 : index
    %swap3A_1396 = tpu.vector_load %arg12[%swap3A_1394, %swap3A_1395] {strides = array<i32>} : memref<16x128xf32, #tpu.memory_space<vmem>>, vector<1x16xf32>,
    %swap3A_1397 = vector.shape_cast %swap3A_1396 : vector<1x16xf32> to vector<16xf32>
    %swap3A_1398 = vector.shape_cast %mul3A_1392 : vector<16xf32> to vector<1x16xf32>
    tpu.vector_store %arg12[%swap3A_1394, %swap3A_1395], %swap3A_1398 {strides = array<i32>} : memref<16x128xf32, #tpu.memory_space<vmem>>, vector<1x16xf32>,
    %get3A_1399 = arith.constant 13 : i32
    %get3A_1400 = arith.index_cast %get3A_1399 : i32 to index
    %get3A_1401 = arith.constant 96 : index
    %get3A_1402 = tpu.vector_load %arg11[%get3A_1400, %get3A_1401] {strides = array<i32>} : memref<16x128xf32, #tpu.memory_space<vmem>>, vector<1x16xf32>,
    %get3A_1403 = vector.shape_cast %get3A_1402 : vector<1x16xf32> to vector<16xf32>
    %mul3A_1404 = arith.mulf %get3A_1403, %get3A_1326 : vector<16xf32>
    %swap3A_1405 = arith.constant 13 : i32
    %swap3A_1406 = arith.index_cast %swap3A_1405 : i32 to index
    %swap3A_1407 = arith.constant 96 : index
    %swap3A_1408 = tpu.vector_load %arg12[%swap3A_1406, %swap3A_1407] {strides = array<i32>} : memref<16x128xf32, #tpu.memory_space<vmem>>, vector<1x16xf32>,
    %swap3A_1409 = vector.shape_cast %swap3A_1408 : vector<1x16xf32> to vector<16xf32>
    %swap3A_1410 = vector.shape_cast %mul3A_1404 : vector<16xf32> to vector<1x16xf32>
    tpu.vector_store %arg12[%swap3A_1406, %swap3A_1407], %swap3A_1410 {strides = array<i32>} : memref<16x128xf32, #tpu.memory_space<vmem>>, vector<1x16xf32>,
    %get3A_1411 = arith.constant 13 : i32
    %get3A_1412 = arith.index_cast %get3A_1411 : i32 to index
    %get3A_1413 = arith.constant 112 : index
    %get3A_1414 = tpu.vector_load %arg11[%get3A_1412, %get3A_1413] {strides = array<i32>} : memref<16x128xf32, #tpu.memory_space<vmem>>, vector<1x16xf32>,
    %get3A_1415 = vector.shape_cast %get3A_1414 : vector<1x16xf32> to vector<16xf32>
    %mul3A_1416 = arith.mulf %get3A_1415, %get3A_1326 : vector<16xf32>
    %swap3A_1417 = arith.constant 13 : i32
    %swap3A_1418 = arith.index_cast %swap3A_1417 : i32 to index
    %swap3A_1419 = arith.constant 112 : index
    %swap3A_1420 = tpu.vector_load %arg12[%swap3A_1418, %swap3A_1419] {strides = array<i32>} : memref<16x128xf32, #tpu.memory_space<vmem>>, vector<1x16xf32>,
    %swap3A_1421 = vector.shape_cast %swap3A_1420 : vector<1x16xf32> to vector<16xf32>
    %swap3A_1422 = vector.shape_cast %mul3A_1416 : vector<16xf32> to vector<1x16xf32>
    tpu.vector_store %arg12[%swap3A_1418, %swap3A_1419], %swap3A_1422 {strides = array<i32>} : memref<16x128xf32, #tpu.memory_space<vmem>>, vector<1x16xf32>,
    %get3A_1423 = arith.constant 14 : i32
    %get3A_1424 = arith.index_cast %get3A_1423 : i32 to index
    %get3A_1425 = arith.constant 0 : index
    %get3A_1426 = tpu.vector_load %arg8[%get3A_1424, %get3A_1425] {strides = array<i32>} : memref<16x16xf32, #tpu.memory_space<vmem>>, vector<1x16xf32>,
    %get3A_1427 = vector.shape_cast %get3A_1426 : vector<1x16xf32> to vector<16xf32>
    %get3A_1428 = arith.constant 14 : i32
    %get3A_1429 = arith.index_cast %get3A_1428 : i32 to index
    %get3A_1430 = arith.constant 0 : index
    %get3A_1431 = tpu.vector_load %arg11[%get3A_1429, %get3A_1430] {strides = array<i32>} : memref<16x128xf32, #tpu.memory_space<vmem>>, vector<1x16xf32>,
    %get3A_1432 = vector.shape_cast %get3A_1431 : vector<1x16xf32> to vector<16xf32>
    %mul3A_1433 = arith.mulf %get3A_1432, %get3A_1427 : vector<16xf32>
    %swap3A_1434 = arith.constant 14 : i32
    %swap3A_1435 = arith.index_cast %swap3A_1434 : i32 to index
    %swap3A_1436 = arith.constant 0 : index
    %swap3A_1437 = tpu.vector_load %arg12[%swap3A_1435, %swap3A_1436] {strides = array<i32>} : memref<16x128xf32, #tpu.memory_space<vmem>>, vector<1x16xf32>,
    %swap3A_1438 = vector.shape_cast %swap3A_1437 : vector<1x16xf32> to vector<16xf32>
    %swap3A_1439 = vector.shape_cast %mul3A_1433 : vector<16xf32> to vector<1x16xf32>
    tpu.vector_store %arg12[%swap3A_1435, %swap3A_1436], %swap3A_1439 {strides = array<i32>} : memref<16x128xf32, #tpu.memory_space<vmem>>, vector<1x16xf32>,
    %get3A_1440 = arith.constant 14 : i32
    %get3A_1441 = arith.index_cast %get3A_1440 : i32 to index
    %get3A_1442 = arith.constant 16 : index
    %get3A_1443 = tpu.vector_load %arg11[%get3A_1441, %get3A_1442] {strides = array<i32>} : memref<16x128xf32, #tpu.memory_space<vmem>>, vector<1x16xf32>,
    %get3A_1444 = vector.shape_cast %get3A_1443 : vector<1x16xf32> to vector<16xf32>
    %mul3A_1445 = arith.mulf %get3A_1444, %get3A_1427 : vector<16xf32>
    %swap3A_1446 = arith.constant 14 : i32
    %swap3A_1447 = arith.index_cast %swap3A_1446 : i32 to index
    %swap3A_1448 = arith.constant 16 : index
    %swap3A_1449 = tpu.vector_load %arg12[%swap3A_1447, %swap3A_1448] {strides = array<i32>} : memref<16x128xf32, #tpu.memory_space<vmem>>, vector<1x16xf32>,
    %swap3A_1450 = vector.shape_cast %swap3A_1449 : vector<1x16xf32> to vector<16xf32>
    %swap3A_1451 = vector.shape_cast %mul3A_1445 : vector<16xf32> to vector<1x16xf32>
    tpu.vector_store %arg12[%swap3A_1447, %swap3A_1448], %swap3A_1451 {strides = array<i32>} : memref<16x128xf32, #tpu.memory_space<vmem>>, vector<1x16xf32>,
    %get3A_1452 = arith.constant 14 : i32
    %get3A_1453 = arith.index_cast %get3A_1452 : i32 to index
    %get3A_1454 = arith.constant 32 : index
    %get3A_1455 = tpu.vector_load %arg11[%get3A_1453, %get3A_1454] {strides = array<i32>} : memref<16x128xf32, #tpu.memory_space<vmem>>, vector<1x16xf32>,
    %get3A_1456 = vector.shape_cast %get3A_1455 : vector<1x16xf32> to vector<16xf32>
    %mul3A_1457 = arith.mulf %get3A_1456, %get3A_1427 : vector<16xf32>
    %swap3A_1458 = arith.constant 14 : i32
    %swap3A_1459 = arith.index_cast %swap3A_1458 : i32 to index
    %swap3A_1460 = arith.constant 32 : index
    %swap3A_1461 = tpu.vector_load %arg12[%swap3A_1459, %swap3A_1460] {strides = array<i32>} : memref<16x128xf32, #tpu.memory_space<vmem>>, vector<1x16xf32>,
    %swap3A_1462 = vector.shape_cast %swap3A_1461 : vector<1x16xf32> to vector<16xf32>
    %swap3A_1463 = vector.shape_cast %mul3A_1457 : vector<16xf32> to vector<1x16xf32>
    tpu.vector_store %arg12[%swap3A_1459, %swap3A_1460], %swap3A_1463 {strides = array<i32>} : memref<16x128xf32, #tpu.memory_space<vmem>>, vector<1x16xf32>,
    %get3A_1464 = arith.constant 14 : i32
    %get3A_1465 = arith.index_cast %get3A_1464 : i32 to index
    %get3A_1466 = arith.constant 48 : index
    %get3A_1467 = tpu.vector_load %arg11[%get3A_1465, %get3A_1466] {strides = array<i32>} : memref<16x128xf32, #tpu.memory_space<vmem>>, vector<1x16xf32>,
    %get3A_1468 = vector.shape_cast %get3A_1467 : vector<1x16xf32> to vector<16xf32>
    %mul3A_1469 = arith.mulf %get3A_1468, %get3A_1427 : vector<16xf32>
    %swap3A_1470 = arith.constant 14 : i32
    %swap3A_1471 = arith.index_cast %swap3A_1470 : i32 to index
    %swap3A_1472 = arith.constant 48 : index
    %swap3A_1473 = tpu.vector_load %arg12[%swap3A_1471, %swap3A_1472] {strides = array<i32>} : memref<16x128xf32, #tpu.memory_space<vmem>>, vector<1x16xf32>,
    %swap3A_1474 = vector.shape_cast %swap3A_1473 : vector<1x16xf32> to vector<16xf32>
    %swap3A_1475 = vector.shape_cast %mul3A_1469 : vector<16xf32> to vector<1x16xf32>
    tpu.vector_store %arg12[%swap3A_1471, %swap3A_1472], %swap3A_1475 {strides = array<i32>} : memref<16x128xf32, #tpu.memory_space<vmem>>, vector<1x16xf32>,
    %get3A_1476 = arith.constant 14 : i32
    %get3A_1477 = arith.index_cast %get3A_1476 : i32 to index
    %get3A_1478 = arith.constant 64 : index
    %get3A_1479 = tpu.vector_load %arg11[%get3A_1477, %get3A_1478] {strides = array<i32>} : memref<16x128xf32, #tpu.memory_space<vmem>>, vector<1x16xf32>,
    %get3A_1480 = vector.shape_cast %get3A_1479 : vector<1x16xf32> to vector<16xf32>
    %mul3A_1481 = arith.mulf %get3A_1480, %get3A_1427 : vector<16xf32>
    %swap3A_1482 = arith.constant 14 : i32
    %swap3A_1483 = arith.index_cast %swap3A_1482 : i32 to index
    %swap3A_1484 = arith.constant 64 : index
    %swap3A_1485 = tpu.vector_load %arg12[%swap3A_1483, %swap3A_1484] {strides = array<i32>} : memref<16x128xf32, #tpu.memory_space<vmem>>, vector<1x16xf32>,
    %swap3A_1486 = vector.shape_cast %swap3A_1485 : vector<1x16xf32> to vector<16xf32>
    %swap3A_1487 = vector.shape_cast %mul3A_1481 : vector<16xf32> to vector<1x16xf32>
    tpu.vector_store %arg12[%swap3A_1483, %swap3A_1484], %swap3A_1487 {strides = array<i32>} : memref<16x128xf32, #tpu.memory_space<vmem>>, vector<1x16xf32>,
    %get3A_1488 = arith.constant 14 : i32
    %get3A_1489 = arith.index_cast %get3A_1488 : i32 to index
    %get3A_1490 = arith.constant 80 : index
    %get3A_1491 = tpu.vector_load %arg11[%get3A_1489, %get3A_1490] {strides = array<i32>} : memref<16x128xf32, #tpu.memory_space<vmem>>, vector<1x16xf32>,
    %get3A_1492 = vector.shape_cast %get3A_1491 : vector<1x16xf32> to vector<16xf32>
    %mul3A_1493 = arith.mulf %get3A_1492, %get3A_1427 : vector<16xf32>
    %swap3A_1494 = arith.constant 14 : i32
    %swap3A_1495 = arith.index_cast %swap3A_1494 : i32 to index
    %swap3A_1496 = arith.constant 80 : index
    %swap3A_1497 = tpu.vector_load %arg12[%swap3A_1495, %swap3A_1496] {strides = array<i32>} : memref<16x128xf32, #tpu.memory_space<vmem>>, vector<1x16xf32>,
    %swap3A_1498 = vector.shape_cast %swap3A_1497 : vector<1x16xf32> to vector<16xf32>
    %swap3A_1499 = vector.shape_cast %mul3A_1493 : vector<16xf32> to vector<1x16xf32>
    tpu.vector_store %arg12[%swap3A_1495, %swap3A_1496], %swap3A_1499 {strides = array<i32>} : memref<16x128xf32, #tpu.memory_space<vmem>>, vector<1x16xf32>,
    %get3A_1500 = arith.constant 14 : i32
    %get3A_1501 = arith.index_cast %get3A_1500 : i32 to index
    %get3A_1502 = arith.constant 96 : index
    %get3A_1503 = tpu.vector_load %arg11[%get3A_1501, %get3A_1502] {strides = array<i32>} : memref<16x128xf32, #tpu.memory_space<vmem>>, vector<1x16xf32>,
    %get3A_1504 = vector.shape_cast %get3A_1503 : vector<1x16xf32> to vector<16xf32>
    %mul3A_1505 = arith.mulf %get3A_1504, %get3A_1427 : vector<16xf32>
    %swap3A_1506 = arith.constant 14 : i32
    %swap3A_1507 = arith.index_cast %swap3A_1506 : i32 to index
    %swap3A_1508 = arith.constant 96 : index
    %swap3A_1509 = tpu.vector_load %arg12[%swap3A_1507, %swap3A_1508] {strides = array<i32>} : memref<16x128xf32, #tpu.memory_space<vmem>>, vector<1x16xf32>,
    %swap3A_1510 = vector.shape_cast %swap3A_1509 : vector<1x16xf32> to vector<16xf32>
    %swap3A_1511 = vector.shape_cast %mul3A_1505 : vector<16xf32> to vector<1x16xf32>
    tpu.vector_store %arg12[%swap3A_1507, %swap3A_1508], %swap3A_1511 {strides = array<i32>} : memref<16x128xf32, #tpu.memory_space<vmem>>, vector<1x16xf32>,
    %get3A_1512 = arith.constant 14 : i32
    %get3A_1513 = arith.index_cast %get3A_1512 : i32 to index
    %get3A_1514 = arith.constant 112 : index
    %get3A_1515 = tpu.vector_load %arg11[%get3A_1513, %get3A_1514] {strides = array<i32>} : memref<16x128xf32, #tpu.memory_space<vmem>>, vector<1x16xf32>,
    %get3A_1516 = vector.shape_cast %get3A_1515 : vector<1x16xf32> to vector<16xf32>
    %mul3A_1517 = arith.mulf %get3A_1516, %get3A_1427 : vector<16xf32>
    %swap3A_1518 = arith.constant 14 : i32
    %swap3A_1519 = arith.index_cast %swap3A_1518 : i32 to index
    %swap3A_1520 = arith.constant 112 : index
    %swap3A_1521 = tpu.vector_load %arg12[%swap3A_1519, %swap3A_1520] {strides = array<i32>} : memref<16x128xf32, #tpu.memory_space<vmem>>, vector<1x16xf32>,
    %swap3A_1522 = vector.shape_cast %swap3A_1521 : vector<1x16xf32> to vector<16xf32>
    %swap3A_1523 = vector.shape_cast %mul3A_1517 : vector<16xf32> to vector<1x16xf32>
    tpu.vector_store %arg12[%swap3A_1519, %swap3A_1520], %swap3A_1523 {strides = array<i32>} : memref<16x128xf32, #tpu.memory_space<vmem>>, vector<1x16xf32>,
    %get3A_1524 = arith.constant 15 : i32
    %get3A_1525 = arith.index_cast %get3A_1524 : i32 to index
    %get3A_1526 = arith.constant 0 : index
    %get3A_1527 = tpu.vector_load %arg8[%get3A_1525, %get3A_1526] {strides = array<i32>} : memref<16x16xf32, #tpu.memory_space<vmem>>, vector<1x16xf32>,
    %get3A_1528 = vector.shape_cast %get3A_1527 : vector<1x16xf32> to vector<16xf32>
    %get3A_1529 = arith.constant 15 : i32
    %get3A_1530 = arith.index_cast %get3A_1529 : i32 to index
    %get3A_1531 = arith.constant 0 : index
    %get3A_1532 = tpu.vector_load %arg11[%get3A_1530, %get3A_1531] {strides = array<i32>} : memref<16x128xf32, #tpu.memory_space<vmem>>, vector<1x16xf32>,
    %get3A_1533 = vector.shape_cast %get3A_1532 : vector<1x16xf32> to vector<16xf32>
    %mul3A_1534 = arith.mulf %get3A_1533, %get3A_1528 : vector<16xf32>
    %swap3A_1535 = arith.constant 15 : i32
    %swap3A_1536 = arith.index_cast %swap3A_1535 : i32 to index
    %swap3A_1537 = arith.constant 0 : index
    %swap3A_1538 = tpu.vector_load %arg12[%swap3A_1536, %swap3A_1537] {strides = array<i32>} : memref<16x128xf32, #tpu.memory_space<vmem>>, vector<1x16xf32>,
    %swap3A_1539 = vector.shape_cast %swap3A_1538 : vector<1x16xf32> to vector<16xf32>
    %swap3A_1540 = vector.shape_cast %mul3A_1534 : vector<16xf32> to vector<1x16xf32>
    tpu.vector_store %arg12[%swap3A_1536, %swap3A_1537], %swap3A_1540 {strides = array<i32>} : memref<16x128xf32, #tpu.memory_space<vmem>>, vector<1x16xf32>,
    %get3A_1541 = arith.constant 15 : i32
    %get3A_1542 = arith.index_cast %get3A_1541 : i32 to index
    %get3A_1543 = arith.constant 16 : index
    %get3A_1544 = tpu.vector_load %arg11[%get3A_1542, %get3A_1543] {strides = array<i32>} : memref<16x128xf32, #tpu.memory_space<vmem>>, vector<1x16xf32>,
    %get3A_1545 = vector.shape_cast %get3A_1544 : vector<1x16xf32> to vector<16xf32>
    %mul3A_1546 = arith.mulf %get3A_1545, %get3A_1528 : vector<16xf32>
    %swap3A_1547 = arith.constant 15 : i32
    %swap3A_1548 = arith.index_cast %swap3A_1547 : i32 to index
    %swap3A_1549 = arith.constant 16 : index
    %swap3A_1550 = tpu.vector_load %arg12[%swap3A_1548, %swap3A_1549] {strides = array<i32>} : memref<16x128xf32, #tpu.memory_space<vmem>>, vector<1x16xf32>,
    %swap3A_1551 = vector.shape_cast %swap3A_1550 : vector<1x16xf32> to vector<16xf32>
    %swap3A_1552 = vector.shape_cast %mul3A_1546 : vector<16xf32> to vector<1x16xf32>
    tpu.vector_store %arg12[%swap3A_1548, %swap3A_1549], %swap3A_1552 {strides = array<i32>} : memref<16x128xf32, #tpu.memory_space<vmem>>, vector<1x16xf32>,
    %get3A_1553 = arith.constant 15 : i32
    %get3A_1554 = arith.index_cast %get3A_1553 : i32 to index
    %get3A_1555 = arith.constant 32 : index
    %get3A_1556 = tpu.vector_load %arg11[%get3A_1554, %get3A_1555] {strides = array<i32>} : memref<16x128xf32, #tpu.memory_space<vmem>>, vector<1x16xf32>,
    %get3A_1557 = vector.shape_cast %get3A_1556 : vector<1x16xf32> to vector<16xf32>
    %mul3A_1558 = arith.mulf %get3A_1557, %get3A_1528 : vector<16xf32>
    %swap3A_1559 = arith.constant 15 : i32
    %swap3A_1560 = arith.index_cast %swap3A_1559 : i32 to index
    %swap3A_1561 = arith.constant 32 : index
    %swap3A_1562 = tpu.vector_load %arg12[%swap3A_1560, %swap3A_1561] {strides = array<i32>} : memref<16x128xf32, #tpu.memory_space<vmem>>, vector<1x16xf32>,
    %swap3A_1563 = vector.shape_cast %swap3A_1562 : vector<1x16xf32> to vector<16xf32>
    %swap3A_1564 = vector.shape_cast %mul3A_1558 : vector<16xf32> to vector<1x16xf32>
    tpu.vector_store %arg12[%swap3A_1560, %swap3A_1561], %swap3A_1564 {strides = array<i32>} : memref<16x128xf32, #tpu.memory_space<vmem>>, vector<1x16xf32>,
    %get3A_1565 = arith.constant 15 : i32
    %get3A_1566 = arith.index_cast %get3A_1565 : i32 to index
    %get3A_1567 = arith.constant 48 : index
    %get3A_1568 = tpu.vector_load %arg11[%get3A_1566, %get3A_1567] {strides = array<i32>} : memref<16x128xf32, #tpu.memory_space<vmem>>, vector<1x16xf32>,
    %get3A_1569 = vector.shape_cast %get3A_1568 : vector<1x16xf32> to vector<16xf32>
    %mul3A_1570 = arith.mulf %get3A_1569, %get3A_1528 : vector<16xf32>
    %swap3A_1571 = arith.constant 15 : i32
    %swap3A_1572 = arith.index_cast %swap3A_1571 : i32 to index
    %swap3A_1573 = arith.constant 48 : index
    %swap3A_1574 = tpu.vector_load %arg12[%swap3A_1572, %swap3A_1573] {strides = array<i32>} : memref<16x128xf32, #tpu.memory_space<vmem>>, vector<1x16xf32>,
    %swap3A_1575 = vector.shape_cast %swap3A_1574 : vector<1x16xf32> to vector<16xf32>
    %swap3A_1576 = vector.shape_cast %mul3A_1570 : vector<16xf32> to vector<1x16xf32>
    tpu.vector_store %arg12[%swap3A_1572, %swap3A_1573], %swap3A_1576 {strides = array<i32>} : memref<16x128xf32, #tpu.memory_space<vmem>>, vector<1x16xf32>,
    %get3A_1577 = arith.constant 15 : i32
    %get3A_1578 = arith.index_cast %get3A_1577 : i32 to index
    %get3A_1579 = arith.constant 64 : index
    %get3A_1580 = tpu.vector_load %arg11[%get3A_1578, %get3A_1579] {strides = array<i32>} : memref<16x128xf32, #tpu.memory_space<vmem>>, vector<1x16xf32>,
    %get3A_1581 = vector.shape_cast %get3A_1580 : vector<1x16xf32> to vector<16xf32>
    %mul3A_1582 = arith.mulf %get3A_1581, %get3A_1528 : vector<16xf32>
    %swap3A_1583 = arith.constant 15 : i32
    %swap3A_1584 = arith.index_cast %swap3A_1583 : i32 to index
    %swap3A_1585 = arith.constant 64 : index
    %swap3A_1586 = tpu.vector_load %arg12[%swap3A_1584, %swap3A_1585] {strides = array<i32>} : memref<16x128xf32, #tpu.memory_space<vmem>>, vector<1x16xf32>,
    %swap3A_1587 = vector.shape_cast %swap3A_1586 : vector<1x16xf32> to vector<16xf32>
    %swap3A_1588 = vector.shape_cast %mul3A_1582 : vector<16xf32> to vector<1x16xf32>
    tpu.vector_store %arg12[%swap3A_1584, %swap3A_1585], %swap3A_1588 {strides = array<i32>} : memref<16x128xf32, #tpu.memory_space<vmem>>, vector<1x16xf32>,
    %get3A_1589 = arith.constant 15 : i32
    %get3A_1590 = arith.index_cast %get3A_1589 : i32 to index
    %get3A_1591 = arith.constant 80 : index
    %get3A_1592 = tpu.vector_load %arg11[%get3A_1590, %get3A_1591] {strides = array<i32>} : memref<16x128xf32, #tpu.memory_space<vmem>>, vector<1x16xf32>,
    %get3A_1593 = vector.shape_cast %get3A_1592 : vector<1x16xf32> to vector<16xf32>
    %mul3A_1594 = arith.mulf %get3A_1593, %get3A_1528 : vector<16xf32>
    %swap3A_1595 = arith.constant 15 : i32
    %swap3A_1596 = arith.index_cast %swap3A_1595 : i32 to index
    %swap3A_1597 = arith.constant 80 : index
    %swap3A_1598 = tpu.vector_load %arg12[%swap3A_1596, %swap3A_1597] {strides = array<i32>} : memref<16x128xf32, #tpu.memory_space<vmem>>, vector<1x16xf32>,
    %swap3A_1599 = vector.shape_cast %swap3A_1598 : vector<1x16xf32> to vector<16xf32>
    %swap3A_1600 = vector.shape_cast %mul3A_1594 : vector<16xf32> to vector<1x16xf32>
    tpu.vector_store %arg12[%swap3A_1596, %swap3A_1597], %swap3A_1600 {strides = array<i32>} : memref<16x128xf32, #tpu.memory_space<vmem>>, vector<1x16xf32>,
    %get3A_1601 = arith.constant 15 : i32
    %get3A_1602 = arith.index_cast %get3A_1601 : i32 to index
    %get3A_1603 = arith.constant 96 : index
    %get3A_1604 = tpu.vector_load %arg11[%get3A_1602, %get3A_1603] {strides = array<i32>} : memref<16x128xf32, #tpu.memory_space<vmem>>, vector<1x16xf32>,
    %get3A_1605 = vector.shape_cast %get3A_1604 : vector<1x16xf32> to vector<16xf32>
    %mul3A_1606 = arith.mulf %get3A_1605, %get3A_1528 : vector<16xf32>
    %swap3A_1607 = arith.constant 15 : i32
    %swap3A_1608 = arith.index_cast %swap3A_1607 : i32 to index
    %swap3A_1609 = arith.constant 96 : index
    %swap3A_1610 = tpu.vector_load %arg12[%swap3A_1608, %swap3A_1609] {strides = array<i32>} : memref<16x128xf32, #tpu.memory_space<vmem>>, vector<1x16xf32>,
    %swap3A_1611 = vector.shape_cast %swap3A_1610 : vector<1x16xf32> to vector<16xf32>
    %swap3A_1612 = vector.shape_cast %mul3A_1606 : vector<16xf32> to vector<1x16xf32>
    tpu.vector_store %arg12[%swap3A_1608, %swap3A_1609], %swap3A_1612 {strides = array<i32>} : memref<16x128xf32, #tpu.memory_space<vmem>>, vector<1x16xf32>,
    %get3A_1613 = arith.constant 15 : i32
    %get3A_1614 = arith.index_cast %get3A_1613 : i32 to index
    %get3A_1615 = arith.constant 112 : index
    %get3A_1616 = tpu.vector_load %arg11[%get3A_1614, %get3A_1615] {strides = array<i32>} : memref<16x128xf32, #tpu.memory_space<vmem>>, vector<1x16xf32>,
    %get3A_1617 = vector.shape_cast %get3A_1616 : vector<1x16xf32> to vector<16xf32>
    %mul3A_1618 = arith.mulf %get3A_1617, %get3A_1528 : vector<16xf32>
    %swap3A_1619 = arith.constant 15 : i32
    %swap3A_1620 = arith.index_cast %swap3A_1619 : i32 to index
    %swap3A_1621 = arith.constant 112 : index
    %swap3A_1622 = tpu.vector_load %arg12[%swap3A_1620, %swap3A_1621] {strides = array<i32>} : memref<16x128xf32, #tpu.memory_space<vmem>>, vector<1x16xf32>,
    %swap3A_1623 = vector.shape_cast %swap3A_1622 : vector<1x16xf32> to vector<16xf32>
    %swap3A_1624 = vector.shape_cast %mul3A_1618 : vector<16xf32> to vector<1x16xf32>
    tpu.vector_store %arg12[%swap3A_1620, %swap3A_1621], %swap3A_1624 {strides = array<i32>} : memref<16x128xf32, #tpu.memory_space<vmem>>, vector<1x16xf32>,
    %barrier3A = arith.constant 0 : index
    tpu.barrier barrier_id(%barrier3A)
    "tpu.region"() ({
      %run_scoped3A = tpu.sem_alloc : memref<!tpu.dma_semaphore, #tpu.memory_space<semaphore_mem>>
      %dma_start3A_1630 = arith.constant 0 : i32
      %dma_start3A_1631 = arith.constant 0 : i32
      %dma_start3A_1632 = tpu.memref_slice %arg14[%dma_start3A_1630, %dma_start3A_1631] : memref<128x128xf32, #tpu.memory_space<vmem_shared>> -> memref<128x128xf32, #tpu.memory_space<vmem_shared>>
      tpu.enqueue_indirect_dma source(%arg12 : memref<16x128xf32, #tpu.memory_space<vmem>>) target(%dma_start3A_1632 : memref<128x128xf32, #tpu.memory_space<vmem_shared>>) offsets(%arg9 : memref<16xi32, #tpu.memory_space<vmem>>) semaphore(%run_scoped3A : memref<!tpu.dma_semaphore, #tpu.memory_space<semaphore_mem>>) {add = true}
      %dma_wait3A_1633 = arith.constant 0 : i32
      %dma_wait3A_1634 = arith.constant 0 : i32
      %dma_wait3A_1635 = tpu.memref_slice %arg14[%dma_wait3A_1633, %dma_wait3A_1634] : memref<128x128xf32, #tpu.memory_space<vmem_shared>> -> memref<128x128xf32, #tpu.memory_space<vmem_shared>>
      tpu.wait_indirect_dma semaphore(%run_scoped3A : memref<!tpu.dma_semaphore, #tpu.memory_space<semaphore_mem>>) src(%arg12 : memref<16x128xf32, #tpu.memory_space<vmem>>) dst(%dma_wait3A_1635 : memref<128x128xf32, #tpu.memory_space<vmem_shared>>)
      tpu.yield
    }) : () -> ()
    %barrier3A_1625 = arith.constant 0 : index
    tpu.barrier barrier_id(%barrier3A_1625)
    %mul3A_1626 = arith.constant 8 : i32
    %mul3A_1627 = arith.muli %arg1, %mul3A_1626 : i32
    %mul3A_1628 = arith.constant 8 : i32
    %mul3A_1629 = arith.muli %arg1, %mul3A_1628 : i32
    "tpu.region"() ({
      %run_scoped3A = tpu.sem_alloc : memref<!tpu.dma_semaphore, #tpu.memory_space<semaphore_mem>>
      %dma_start3A_1630 = arith.constant 0 : i32
      %dma_start3A_1631 = arith.constant 0 : i32
      %dma_start3A_1632 = tpu.memref_slice %arg7[%arg0, %dma_start3A_1630, %dma_start3A_1631] : memref<2x128x128xf32, #tpu.memory_space<hbm>> -> memref<1x128x128xf32, #tpu.memory_space<hbm>>
      %dma_start3A_1633 = tpu.memref_squeeze %dma_start3A_1632 : memref<1x128x128xf32, #tpu.memory_space<hbm>> -> memref<128x128xf32, #tpu.memory_space<hbm>>
      %dma_start3A_1634 = arith.constant 0 : i32
      %dma_start3A_1635 = tpu.memref_slice %dma_start3A_1633[%mul3A_1629, %dma_start3A_1634] : memref<128x128xf32, #tpu.memory_space<hbm>> -> memref<8x128xf32, #tpu.memory_space<hbm>>
      %dma_start3A_1636 = arith.constant 0 : i32
      %dma_start3A_1637 = tpu.memref_slice %arg14[%mul3A_1627, %dma_start3A_1636] : memref<128x128xf32, #tpu.memory_space<vmem_shared>> -> memref<8x128xf32, #tpu.memory_space<vmem_shared>>
      tpu.enqueue_dma source(%dma_start3A_1637 : memref<8x128xf32, #tpu.memory_space<vmem_shared>>) target(%dma_start3A_1635 : memref<8x128xf32, #tpu.memory_space<hbm>>) target_semaphore(%run_scoped3A : memref<!tpu.dma_semaphore, #tpu.memory_space<semaphore_mem>>)
      %dma_wait3A_1638 = arith.constant 0 : i32
      %dma_wait3A_1639 = arith.constant 0 : i32
      %dma_wait3A_1640 = tpu.memref_slice %arg7[%arg0, %dma_wait3A_1638, %dma_wait3A_1639] : memref<2x128x128xf32, #tpu.memory_space<hbm>> -> memref<1x128x128xf32, #tpu.memory_space<hbm>>
      %dma_wait3A_1641 = tpu.memref_squeeze %dma_wait3A_1640 : memref<1x128x128xf32, #tpu.memory_space<hbm>> -> memref<128x128xf32, #tpu.memory_space<hbm>>
      %dma_wait3A_1642 = arith.constant 0 : i32
      %dma_wait3A_1643 = tpu.memref_slice %dma_wait3A_1641[%mul3A_1629, %dma_wait3A_1642] : memref<128x128xf32, #tpu.memory_space<hbm>> -> memref<8x128xf32, #tpu.memory_space<hbm>>
      %dma_wait3A_1644 = arith.constant 0 : i32
      %dma_wait3A_1645 = tpu.memref_slice %arg14[%mul3A_1627, %dma_wait3A_1644] : memref<128x128xf32, #tpu.memory_space<vmem_shared>> -> memref<8x128xf32, #tpu.memory_space<vmem_shared>>
      tpu.wait_dma2 semaphore(%run_scoped3A : memref<!tpu.dma_semaphore, #tpu.memory_space<semaphore_mem>>) src(%dma_wait3A_1645 : memref<8x128xf32, #tpu.memory_space<vmem_shared>>) dst(%dma_wait3A_1643 : memref<8x128xf32, #tpu.memory_space<hbm>>)
      tpu.yield
    }) : () -> ()
    return
  }
}

module attributes {stable_mosaic.version = 14 : i64} {
  func.func @_tc_combine_body(%arg0: memref<2x128x128xf32, #tpu.memory_space<vmem>>, %arg1: memref<128x128xf32, #tpu.memory_space<vmem>>, %arg2: memref<1x512xf32, #tpu.memory_space<vmem>>, %arg3: memref<1x1xf32, #tpu.memory_space<vmem>>) attributes {dimension_semantics = [], scalar_prefetch = 0 : i64, scratch_operands = 0 : i64, tpu.core_type = #tpu.core_type<tc>} {
    %get3A = arith.constant 0 : index
    %get3A_0 = arith.constant 0 : index
    %get3A_1 = arith.constant 0 : index
    %get3A_2 = vector.load %arg0[%get3A, %get3A_0, %get3A_1] : memref<2x128x128xf32, #tpu.memory_space<vmem>>, vector<1x128x128xf32>
    %get3A_3 = vector.shape_cast %get3A_2 : vector<1x128x128xf32> to vector<128x128xf32>
    %get3A_4 = arith.constant 1 : index
    %get3A_5 = arith.constant 0 : index
    %get3A_6 = arith.constant 0 : index
    %get3A_7 = vector.load %arg0[%get3A_4, %get3A_5, %get3A_6] : memref<2x128x128xf32, #tpu.memory_space<vmem>>, vector<1x128x128xf32>
    %get3A_8 = vector.shape_cast %get3A_7 : vector<1x128x128xf32> to vector<128x128xf32>
    %add3A = arith.addf %get3A_3, %get3A_8 : vector<128x128xf32>
    %get3A_9 = arith.constant 0 : index
    %get3A_10 = arith.constant 0 : index
    %get3A_11 = vector.load %arg1[%get3A_9, %get3A_10] : memref<128x128xf32, #tpu.memory_space<vmem>>, vector<128x128xf32>
    %mul3A = arith.mulf %add3A, %get3A_11 : vector<128x128xf32>
    %reduce_sum3A = vector.shape_cast %mul3A : vector<128x128xf32> to vector<1x128x128xf32>
    %reduce_sum3A_12 = arith.constant dense<0.000000e+00> : vector<1xf32>
    %reduce_sum3A_13 = vector.multi_reduction <add>, %reduce_sum3A, %reduce_sum3A_12 [1, 2] : vector<1x128x128xf32> to vector<1xf32>
    %reduce_sum3A_14 = vector.shape_cast %reduce_sum3A_13 : vector<1xf32> to vector<1x1x1xf32>
    %reduce_sum3A_15 = vector.extract %reduce_sum3A_14[0, 0, 0] : f32 from vector<1x1x1xf32>
    %get3A_16 = arith.constant 0 : index
    %get3A_17 = arith.constant 0 : index
    %get3A_18 = vector.load %arg2[%get3A_16, %get3A_17] : memref<1x512xf32, #tpu.memory_space<vmem>>, vector<1x512xf32>
    %get3A_19 = vector.shape_cast %get3A_18 : vector<1x512xf32> to vector<512xf32>
    %reduce_sum3A_20 = vector.shape_cast %get3A_19 : vector<512xf32> to vector<1x512xf32>
    %reduce_sum3A_21 = arith.constant dense<0.000000e+00> : vector<1xf32>
    %reduce_sum3A_22 = vector.multi_reduction <add>, %reduce_sum3A_20, %reduce_sum3A_21 [1] : vector<1x512xf32> to vector<1xf32>
    %reduce_sum3A_23 = vector.shape_cast %reduce_sum3A_22 : vector<1xf32> to vector<1x1xf32>
    %reduce_sum3A_24 = vector.extract %reduce_sum3A_23[0, 0] : f32 from vector<1x1xf32>
    %max3A = arith.constant 9.99999993E-9 : f32
    %max3A_25 = arith.maximumf %reduce_sum3A_24, %max3A : f32
    %neg3A = arith.constant 0.000000e+00 : f32
    %neg3A_26 = arith.subf %neg3A, %reduce_sum3A_15 : f32
    %mul3A_27 = arith.constant 2.560000e+02 : f32
    %mul3A_28 = arith.mulf %mul3A_27, %max3A_25 : f32
    %div3A = arith.divf %neg3A_26, %mul3A_28 : f32
    %reshape3A = vector.broadcast %div3A : f32 to vector<1x1xf32>
    %swap3A = arith.constant 0 : index
    %swap3A_29 = arith.constant 0 : index
    %swap3A_30 = vector.load %arg3[%swap3A, %swap3A_29] : memref<1x1xf32, #tpu.memory_space<vmem>>, vector<1x1xf32>
    tpu.vector_store %arg3[%swap3A, %swap3A_29], %reshape3A {strides = array<i32>} : memref<1x1xf32, #tpu.memory_space<vmem>>, vector<1x1xf32>,
    return
  }
}

module attributes {stable_mosaic.version = 14 : i64} {
  func.func @_tc_k_body(%arg0: i32, %arg1: memref<64x128x128xf32, #tpu.memory_space<vmem>>, %arg2: memref<128x128xf32, #tpu.memory_space<vmem>>, %arg3: memref<128x128xf32, #tpu.memory_space<vmem>>, %arg4: memref<128x128xf32, #tpu.memory_space<vmem>>, %arg5: memref<128x128xf32, #tpu.memory_space<vmem>>) attributes {dimension_semantics = [#tpu.dimension_semantics<arbitrary>], iteration_bounds = array<i64: 4>, scalar_prefetch = 0 : i64, scratch_operands = 1 : i64, tpu.core_type = #tpu.core_type<tc>, window_params = [{transform_indices = @transform_0, window_bounds = array<i64: 64, 128, 128>}, {pipeline_mode = #tpu.pipeline_mode<synchronous>, transform_indices = @transform_1, window_bounds = array<i64: 128, 128>}, {pipeline_mode = #tpu.pipeline_mode<synchronous>, transform_indices = @transform_2, window_bounds = array<i64: 128, 128>}, {pipeline_mode = #tpu.pipeline_mode<synchronous>, transform_indices = @transform_3, window_bounds = array<i64: 128, 128>}]} {
    %eq3A = arith.constant 0 : i32
    %eq3A_0 = arith.cmpi eq, %arg0, %eq3A : i32
    %convert_element_type3A = arith.extui %eq3A_0 : i1 to i32
    %cond3A = arith.constant 0 : i32
    %cond3A_1 = arith.cmpi ne, %convert_element_type3A, %cond3A : i32
    scf.if %cond3A_1 {
      %get3A_17 = arith.constant 0 : index
      %get3A_18 = arith.constant 0 : index
      %get3A_19 = vector.load %arg2[%get3A_17, %get3A_18] : memref<128x128xf32, #tpu.memory_space<vmem>>, vector<128x128xf32>
      %eq3A_20 = arith.constant 1.000000e+00 : f32
      %eq3A_21 = vector.broadcast %eq3A_20 : f32 to vector<128x128xf32>
      %eq3A_22 = arith.cmpf oeq, %get3A_19, %eq3A_21 : vector<128x128xf32>
      %convert_element_type3A_23 = arith.extui %eq3A_22 : vector<128x128xi1> to vector<128x128xi32>
      %convert_element_type3A_24 = arith.sitofp %convert_element_type3A_23 : vector<128x128xi32> to vector<128x128xf32>
      %get3A_25 = arith.constant 0 : index
      %get3A_26 = arith.constant 0 : index
      %get3A_27 = vector.load %arg3[%get3A_25, %get3A_26] : memref<128x128xf32, #tpu.memory_space<vmem>>, vector<128x128xf32>
      %sub3A = arith.constant 1.000000e+00 : f32
      %sub3A_28 = vector.broadcast %sub3A : f32 to vector<128x128xf32>
      %sub3A_29 = arith.subf %sub3A_28, %get3A_27 : vector<128x128xf32>
      %max3A = arith.constant 0.000000e+00 : f32
      %max3A_30 = vector.broadcast %max3A : f32 to vector<128x128xf32>
      %max3A_31 = arith.maximumf %sub3A_29, %max3A_30 : vector<128x128xf32>
      %mul3A = arith.mulf %convert_element_type3A_24, %max3A_31 : vector<128x128xf32>
      %swap3A_32 = arith.constant 0 : index
      %swap3A_33 = arith.constant 0 : index
      %swap3A_34 = vector.load %arg5[%swap3A_32, %swap3A_33] : memref<128x128xf32, #tpu.memory_space<vmem>>, vector<128x128xf32>
      tpu.vector_store %arg5[%swap3A_32, %swap3A_33], %mul3A {strides = array<i32>} : memref<128x128xf32, #tpu.memory_space<vmem>>, vector<128x128xf32>,
      %broadcast_in_dim3A = arith.constant 0.000000e+00 : f32
      %broadcast_in_dim3A_35 = vector.broadcast %broadcast_in_dim3A : f32 to vector<128x128xf32>
      %swap3A_36 = arith.constant 0 : index
      %swap3A_37 = arith.constant 0 : index
      %swap3A_38 = vector.load %arg4[%swap3A_36, %swap3A_37] : memref<128x128xf32, #tpu.memory_space<vmem>>, vector<128x128xf32>
      tpu.vector_store %arg4[%swap3A_36, %swap3A_37], %broadcast_in_dim3A_35 {strides = array<i32>} : memref<128x128xf32, #tpu.memory_space<vmem>>, vector<128x128xf32>,
    } else {
    }
    %get3A = arith.constant 0 : index
    %get3A_2 = arith.constant 0 : index
    %get3A_3 = arith.constant 0 : index
    %get3A_4 = vector.load %arg1[%get3A, %get3A_2, %get3A_3] : memref<64x128x128xf32, #tpu.memory_space<vmem>>, vector<64x128x128xf32>
    %get3A_5 = arith.constant 0 : index
    %get3A_6 = arith.constant 0 : index
    %get3A_7 = vector.load %arg5[%get3A_5, %get3A_6] : memref<128x128xf32, #tpu.memory_space<vmem>>, vector<128x128xf32>
    %dot_general3A = arith.constant dense<0.000000e+00> : vector<64x128x128xf32>
    %dot_general3A_8 = tpu.matmul %get3A_4, %get3A_7, %dot_general3A {dimension_numbers = #tpu.dot_dimension_numbers<[2], [0], [0, 1], [1], [0, 0, 0, 1, 1, 1], [], []>, transpose_lhs_hint = false} : vector<64x128x128xf32>, vector<128x128xf32>, vector<64x128x128xf32> -> vector<64x128x128xf32>
    %dot_general3A_9 = arith.constant dense<0.000000e+00> : vector<64x128x128xf32>
    %dot_general3A_10 = tpu.matmul %dot_general3A_8, %get3A_4, %dot_general3A_9 {dimension_numbers = #tpu.dot_dimension_numbers<[2], [2], [1], [1], [0, 0, 0, 1, 1, 1], [0], [0]>, transpose_lhs_hint = false} : vector<64x128x128xf32>, vector<64x128x128xf32>, vector<64x128x128xf32> -> vector<64x128x128xf32>
    %get3A_11 = arith.constant 0 : index
    %get3A_12 = arith.constant 0 : index
    %get3A_13 = vector.load %arg4[%get3A_11, %get3A_12] : memref<128x128xf32, #tpu.memory_space<vmem>>, vector<128x128xf32>
    %reduce_sum3A = arith.constant dense<0.000000e+00> : vector<128x128xf32>
    %reduce_sum3A_14 = vector.multi_reduction <add>, %dot_general3A_10, %reduce_sum3A [0] : vector<64x128x128xf32> to vector<128x128xf32>
    %add3A = arith.addf %get3A_13, %reduce_sum3A_14 : vector<128x128xf32>
    %swap3A = arith.constant 0 : index
    %swap3A_15 = arith.constant 0 : index
    %swap3A_16 = vector.load %arg4[%swap3A, %swap3A_15] : memref<128x128xf32, #tpu.memory_space<vmem>>, vector<128x128xf32>
    tpu.vector_store %arg4[%swap3A, %swap3A_15], %add3A {strides = array<i32>} : memref<128x128xf32, #tpu.memory_space<vmem>>, vector<128x128xf32>,
    return
  }
  func.func @transform_0(%arg0: i32) -> (i32, i32, i32) {
    %c0_i32 = arith.constant 0 : i32
    %c0_i32_0 = arith.constant 0 : i32
    %c0_i32_1 = arith.constant 0 : i32
    return %arg0, %c0_i32, %c0_i32_0 : i32, i32, i32
  }
  func.func @transform_1(%arg0: i32) -> (i32, i32) {
    %c0_i32 = arith.constant 0 : i32
    %c0_i32_0 = arith.constant 0 : i32
    %c0_i32_1 = arith.constant 0 : i32
    return %c0_i32, %c0_i32_0 : i32, i32
  }
  func.func @transform_2(%arg0: i32) -> (i32, i32) {
    %c0_i32 = arith.constant 0 : i32
    %c0_i32_0 = arith.constant 0 : i32
    %c0_i32_1 = arith.constant 0 : i32
    return %c0_i32, %c0_i32_0 : i32, i32
  }
  func.func @transform_3(%arg0: i32) -> (i32, i32) {
    %c0_i32 = arith.constant 0 : i32
    %c0_i32_0 = arith.constant 0 : i32
    %c0_i32_1 = arith.constant 0 : i32
    return %c0_i32, %c0_i32_0 : i32, i32
  }
}

</mosaic_0001>

<sc_bundles>
// kernel: kernel.5.cloned.1.call-start
scs
__scs_entry_jumppad:
0x0: {  	(pc) =	sbr.rel $0x88, $3  }
0x1: {  	(tag) =	ssettag $0x0;
	lr =	simm.s32 $0x1  }
0x2: {  	[smem:$0x3F9C] =	sst lr;
	_ =	strace $0xD0000000  }
0x3: {  	_ = 	snop  }
0x4: {  	_ = 	snop  }
0x5: {  	_ = 	snop  }
0x6: {  	_ = 	snop  }
0x7: {  	_ = 	snop  }
__scs_overlays_trampoline_lowered:
0x8: {  	[smem:$0x3FAB] =	sst s0  }
0x9: {  	[smem:$0x3FAC] =	sst s1  }
0xa: {  	[smem:$0x3FAD] =	sst s2  }
0xb: {  	[smem:$0x3FAE] =	sst s3  }
0xc: {  	[smem:$0x3FAF] =	sst s4  }
0xd: {  	[smem:$0x3FB0] =	sst s5  }
0xe: {  	[smem:$0x3FB1] =	sst s6  }
0xf: {  	[smem:$0x3FB2] =	sst s7  }
0x10: {  	[smem:$0x3FB3] =	sst s8  }
0x11: {  	[smem:$0x3FB4] =	sst s9;
	s0 =	simm.s32 @!p0 $0x0  }
0x12: {  	s1 =	sld [smem:$0x3F9A];
	s0 =	simm.s32 @p0 $0x1  }
0x13: {  	[smem:$0x3FB5] =	sst s0;
	s0 =	simm.s32 @!p1 $0x0  }
0x14: {  	s2 =	sld [smem:$0x3F99];
	s0 =	simm.s32 @p1 $0x1  }
0x15: {  	[smem:$0x3FB6] =	sst s0;
	s0 =	simm.s32 @!p2 $0x0  }
0x16: {  	s3 =	sld [smem:$0x3FDB];
	s0 =	simm.s32 @p2 $0x1  }
0x17: {  	s4 =	simm.s32 $0x1BF5;
	[smem:$0x3FB8] =	sst s0  }
0x18: {  	s0 =	sld [smem:$0x3F9B];
	_ =	swait.ge [sflag:s4], $0x0  }
0x19: {  	s7 =	sld [smem:$0x3F9C]  }
0x1a: {  	s8 =	sadd.s32 $0xFFFFE003, lr  }
0x1b: {  	s9 =	sadd.s32 $0xFFFFFEF7, lr;
	s5 =	simm.s32 $0xFFFFFFFF;
	p2 =	slt.u32 s8, $0xFFFFF086  }
0x1c: {  	p1 =	slt.u32 s9, $0xF7A;
	s5 =	simm.s32 @!p2 $0x0  }
0x1d: {  	s5 =	simm.s32 @p1 $0x1;
	p0 =	seq.s32 s7, s2  }
0x1e: {  	s7 =	smul.u32 @!p0 $0xF7A, s2;
	p2 =	seq.s32 @!p0 s5, $0x0  }
0x1f: {  	s9 =	smul.u32 $0xF7A, s1;
	s8 =	simm.s32 @!p0 $0x1BF5;
	p2 =	por !p2, p0  }
0x20: {  	[sflag:s8] =	ssyncset.s32 @!p0 $0xFFFFF086;
	s6 =	sadd.s32 @!p0 s3, s7;
	s7 =	simm.s32 @!p0 $0x108  }
0x21: {  	s3 =	sadd.s32 s3, s9;
	s6 =	sadd.s32 @!p0 $0x88, s6;
	s7 =	simm.s32 @p2 $0x1082  }
0x22: {  	[simem:s7], [sflag:s8] =	dma.local @!p0 [hbm:s6], $0xF7A  }
0x23: {  	s9 =	sor.u32 $0xD0000000, s2;
	s6 =	simm.s32 $0x108;
	_ =	swait.ge @!p0 [sflag:s8], $0x0  }
0x24: {  	s3 =	sadd.s32 $0x88, s3;
	s6 =	simm.s32 @!p1 $0x1082;
	[sflag:s4] =	ssyncset.s32 $0xFFFFF086  }
0x25: {  	[simem:s6], [sflag:s4] =	dma.local [hbm:s3], $0xF7A  }
0x26: {  	[smem:$0x3F9C] =	sst s1;
	(tag) =	ssettag s2;
	_ =	strace s9  }
0x27: {  	s1 =	sld [smem:$0x3FAC]  }
0x28: {  	s2 =	sld [smem:$0x3FAD]  }
0x29: {  	s4 =	sld [smem:$0x3FAF]  }
0x2a: {  	p0 =	seq.s32 s5, $0x0;
	s5 =	sld [smem:$0x3FB0]  }
0x2b: {  	s6 =	sld [smem:$0x3FB1]  }
0x2c: {  	s7 =	sld [smem:$0x3FB2]  }
0x2d: {  	s3 =	simm.s32 $0x108;
	s8 =	sld [smem:$0x3FB3]  }
0x2e: {  	s3 =	simm.s32 @!p0 $0x1082;
	s9 =	sld [smem:$0x3FB4]  }
0x2f: {  	lr =	sadd.s32 s0, s3;
	s0 =	sld [smem:$0x3FAB]  }
0x30: {  	s3 =	sld [smem:$0x3FAE]  }
0x31: {  	[smem:$0x3FB7] =	sst s10  }
0x32: {  	s10 =	sld [smem:$0x3FB5];
	_ =	sdelay $0x3  }
0x33: {  	p0 =	seq.s32 s10, $0x1;
	s10 =	sld [smem:$0x3FB7];
	_ =	sdelay $0x3  }
0x34: {  	[smem:$0x3FB7] =	sst s10  }
0x35: {  	s10 =	sld [smem:$0x3FB6];
	_ =	sdelay $0x3  }
0x36: {  	p1 =	seq.s32 s10, $0x1;
	s10 =	sld [smem:$0x3FB7];
	_ =	sdelay $0x3  }
0x37: {  	[smem:$0x3FB7] =	sst s10  }
0x38: {  	s10 =	sld [smem:$0x3FB8]  }
0x39: {  	_ = 	snop;
	(pc) =	sbr.ind lr, $3  }
0x3a: {  	_ = 	snop  }
0x3b: {  	_ = 	snop  }
0x3c: {  	p2 =	seq.s32 s10, $0x1;
	s10 =	sld [smem:$0x3FB7]  }
0x3d: {  	_ =	shalt  }
0x3e: {  	_ =	shalt  }
0x3f: {  	_ =	shalt  }
0x40: {  	_ =	shalt  }
0x41: {  	_ =	shalt  }
0x42: {  	_ =	shalt  }
0x43: {  	_ =	shalt  }
0x44: {  	_ =	shalt  }
0x45: {  	_ =	shalt  }
0x46: {  	_ =	shalt  }
0x47: {  	_ =	shalt  }
0x48: {  	_ =	shalt  }
0x49: {  	_ =	shalt  }
0x4a: {  	_ =	shalt  }
0x4b: {  	_ =	shalt  }
0x4c: {  	_ =	shalt  }
0x4d: {  	_ =	shalt  }
0x4e: {  	_ =	shalt  }
0x4f: {  	_ =	shalt  }
0x50: {  	_ =	shalt  }
0x51: {  	_ =	shalt  }
0x52: {  	_ =	shalt  }
0x53: {  	_ =	shalt  }
0x54: {  	_ =	shalt  }
0x55: {  	_ =	shalt  }
0x56: {  	_ =	shalt  }
0x57: {  	_ =	shalt  }
0x58: {  	_ =	shalt  }
0x59: {  	_ =	shalt  }
0x5a: {  	_ =	shalt  }
0x5b: {  	_ =	shalt  }
0x5c: {  	_ =	shalt  }
0x5d: {  	_ =	shalt  }
0x5e: {  	_ =	shalt  }
0x5f: {  	_ =	shalt  }
0x60: {  	_ =	shalt  }
0x61: {  	_ =	shalt  }
0x62: {  	_ =	shalt  }
0x63: {  	_ =	shalt  }
0x64: {  	_ =	shalt  }
0x65: {  	_ =	shalt  }
0x66: {  	_ =	shalt  }
0x67: {  	_ =	shalt  }
0x68: {  	_ =	shalt  }
0x69: {  	_ =	shalt  }
0x6a: {  	_ =	shalt  }
0x6b: {  	_ =	shalt  }
0x6c: {  	_ =	shalt  }
0x6d: {  	_ =	shalt  }
0x6e: {  	_ =	shalt  }
0x6f: {  	_ =	shalt  }
0x70: {  	_ =	shalt  }
0x71: {  	_ =	shalt  }
0x72: {  	_ =	shalt  }
0x73: {  	_ =	shalt  }
0x74: {  	_ =	shalt  }
0x75: {  	_ =	shalt  }
0x76: {  	_ =	shalt  }
0x77: {  	_ =	shalt  }
0x78: {  	_ =	shalt  }
0x79: {  	_ =	shalt  }
0x7a: {  	_ =	shalt  }
0x7b: {  	_ =	shalt  }
0x7c: {  	_ =	shalt  }
0x7d: {  	_ =	shalt  }
0x7e: {  	_ =	shalt  }
0x7f: {  	_ =	shalt  }
0x80: {  	_ =	shalt  }
0x81: {  	_ =	shalt  }
0x82: {  	_ =	shalt  }
0x83: {  	_ =	shalt  }
0x84: {  	_ =	shalt  }
0x85: {  	_ =	shalt  }
0x86: {  	_ =	shalt  }
0x87: {  	_ =	shalt  }
.Lfunc_end0:
.L_simem_size_0:
called_computation_lowered:
.L_overlay_start_0:
0x88: {  	s2 =	sld [smem:$0x3FD9]  }
0x89: {  	s3 =	sld [smem:$0x3FFE];
	_ =	sdelay $0x1  }
0x8a: {  	s1 =	srdreg.scid  }
0x8b: {  	s0 =	sand.u32 $0x1, s1  }
0x8c: {  	s16 =	sshll.u32 s0, $0xA;
	s2 =	sadd.s32 s3, s2  }
0x8d: {  	s2 =	sadd.s32 s2, s16  }
0x8e: {  	[smem:$0x3FC3] =	sst s2  }
0x8f: {  	_ = 	snop  }
0x90: {  	(tm) =	ssettm $0x1  }
0x91: {  	s17 =	sld [smem:$0x3FFB];
	_ =	sdelay $0x3  }
0x92: {  	_ =	strace s17  }
0x93: {  	s2 =	sld [smem:$0x3FFC];
	_ =	sdelay $0x3  }
0x94: {  	_ =	strace s2  }
0x95: {  	s2 =	sld [smem:$0x3FFD];
	_ =	sdelay $0x3  }
0x96: {  	_ =	strace s2  }
0x97: {  	_ =	strace $0x8FFFFFFF  }
0x98: {  	s18 =	sld [smem:$0x3FDB];
	_ =	sdelay $0x1  }
0x99: {  	s19 =	simm.s32 $_scs_section_size  }
0x9a: {  	s4 =	simm.s32 $_size__tile_overlayer_lowered;
	s5 =	simm.s32 $_tile_overlayer_lowered  }
0x9b: {  	s22 =	simm.s32 $0x1BFF;
	s21 =	sshll.u32 s5, $0x1;
	s2 =	sadd.s32 s19, s18  }
0x9c: {  	s6 =	simm.s32 $0x0;
	s20 =	sshll.u32 s4, $0x1;
	s4 =	sadd.s32 s21, s2  }
0x9d: {  	[timem:s6], [sflag:s22] =	dma.local [hbm:s4], s20  }
0x9e: {  	_ =	swait.ge [sflag:s22], s20  }
0x9f: {  	s3 =	ssub.s32 $0x0, s20;
	[sflag:s22] =	ssyncset.done $0x0  }
0xa0: {  	[sflag:s22] =	ssyncadd.s32 s3;
	_ =	sdelay $0x1  }
0xa1: {  	s23 =	simm.s32 $0x1B8B  }
0xa2: {  	_ =	swait.ge [sflag:s23], $0x1  }
0xa3: {  	[sflag:s23] =	ssyncset.done $0x0  }
0xa4: {  	s25 =	simm.s32 $0x1B8E;
	s24 =	sld [smem:$0x3FFE];
	[sflag:s23] =	ssyncadd.s32 $0xFFFFFFFF  }
0xa5: {  	s26 =	simm.s32 $execute0_lowered;
	[smem:$0x3FD2] =	sst s25  }
0xa6: {  	s4 =	sshll.u32 s26, $0x1;
	_ =	strace $0x80000046;
	[dreg:$0x1] =	wrdreg $0xFFFFFFFF  }
0xa7: {  	s28 =	simm.s32 $_size_execute0_lowered;
	s2 =	sadd.s32 s2, s4;
	[dreg:$0x0] =	wrdreg $0x0  }
0xa8: {  	s4 =	sshll.u32 s28, $0x1;
	[dreg:$0x2] =	wrdreg s2  }
0xa9: {  	[dreg:$0x3] =	wrdreg s4  }
0xaa: {  	[dreg:$0x4] =	wrdreg $0xC0  }
0xab: {  	_ =	task [dreg:s6], $0x5FFFF  }
0xac: {  	[dreg:$0x1] =	wrdreg $0xFFFFFFFF  }
0xad: {  	[dreg:$0x0] =	wrdreg $0x60  }
0xae: {  	[dreg:$0x2] =	wrdreg s24  }
0xaf: {  	[dreg:$0x3] =	wrdreg $0x19000  }
0xb0: {  	[dreg:$0x4] =	wrdreg $0x9  }
0xb1: {  	_ =	task.clear_ibuf [dreg:s6], $0x5FFFF;
	_ =	strace $0x90000046  }
0xb2: {  	s29 =	simm.s32 $0x9;
	_ =	strace $0x80000048  }
0xb3: {  	_ =	swait.ge [sflag:s29], $0x1  }
0xb4: {  	[sflag:s29] =	ssyncadd.s32 $0xFFFFFFFF  }
0xb5: {  	_ =	strace $0x90000048  }
0xb6: {  	_ =	sfence  }
0xb7: {  	s30 =	sld [smem:$0x0];
	_ =	sdelay $0x2  }
0xb8: {  	s31 =	sshll.u32 s1, $0xD;
	s1 =	sshrl.u32 s1, $0x2  }
0xb9: {  	s3 =	sand.u32 $0x4000, s31;
	s1 =	sadd.s32 s1, s30  }
0xba: {  	s0 =	sor.u32 s3, s0;
	s1 =	sshll.u32 s1, $0x11  }
0xbb: {  	s0 =	sor.u32 s1, s0  }
0xbc: {  	s0 =	sadd.s32 $0x8F2B, s0  }
0xbd: {  	[sflag:s0] =	ssyncadd.remote.s32 $0x1  }
0xbe: {  	_ =	sfence.sel $0xFFFF  }
0xbf: {  	[dreg:$0x0] =	wrdreg $0xFFFFFFFF;
	(pc) =	sbr.abs _section_cstart, $3  }
0xc0: {  	[dreg:$0x1] =	wrdreg $0xFFFFFFFF  }
0xc1: {  	_ =	task.clear_ibuf [dreg:s6], $0x2FFFF;
	_ =	strace $0x9FFFFFFF  }
0xc2: {  	(tm) =	ssettm $0x7FFFFFFF  }
0xc3: {  	_ =	shalt  }
tec
execute0_lowered:
.L_overlay_start_1:
0x0: {  	(tag) =	ssettag $0x1  }
0x1: {  	s5 =	rddreg [dreg:$0x0]  }
0x2: {  	s2 =	rddreg [dreg:$0x1]  }
0x3: {  	s0 =	rddreg [dreg:$0x2];
	s4 =	srdreg.scid  }
0x4: {  	s3 =	simm.s32 $0x0;
	s1 =	stileid.u32;
	s14 =	simm.s32 $0x880  }
0x5: {  	s15 =	simm.s32 $0x10;
	s16 =	simm.s32 $0x900;
	s17 =	simm.s32 $0x1  }
0x6: {  	s18 =	simm.s32 $0x1100;
	s6 =	sand.u32 $0x1, s4;
	[smem:$0x7FF] =	sst s3  }
0x7: {  	s7 =	sshll.u32 s1, $0x4;
	s19 =	sshll.u32 s1, $0x7;
	s30 =	sshll.u32 s1, $0xA  }
0x8: {  	s31 =	sshll.u32 s1, $0x6;
	s4 =	sshll.u32 s6, $0x8;
	_ =	strace $0x80000047  }
0x9: {  	s8 =	sadd.s32 s19, s5;
	s10 =	ssub.s32 $0x2, s6;
	s6 =	sshll.u32 s6, $0xB  }
0xa: {  	s13 =	sadd.s32 s30, s2;
	s7 =	sor.u32 s7, s4;
	s4 =	sadd.s32 $0x1000, s5  }
0xb: {  	s29 =	sshrl.u32 s10, $0x1;
	s12 =	sadd.s32 s6, s5;
	s6 =	sor.u32 $0x1C02, s31  }
0xc: {  	s9 =	sshll.u32 s7, $0x4;
	s7 =	sshrl.u32 s7, $0x3;
	s10 =	ssub.s32 s10, s29  }
0xd: {  	s20 =	sadd.s32 $0x4400, s12;
	s12 =	simm.s32 $0x2;
	s9 =	sadd.s32 s9, s5  }
0xe: {  	s11 =	sadd.s32 s7, s5;
	s5 =	sadd.s32 $0x3C00, s8;
	s10 =	smax.u32 s10, $0x1  }
0xf: {  	s19 =	sadd.s32 s19, s20;
	s7 =	sadd.s32 $0x1C00, s9;
	s8 =	sadd.s32 $0x1A00, s11  }
0x10: {  	s9 =	sadd.s32 $0x1800, s11;
	s11 =	sshrl.u32 s13, $0x3;
	s13 =	simm.s32 $0x800  }
.LBB2_1:
0x11: {  	[spmem:s11], [sflag:s6] =	dma.local [hbm:s5], $0x80  }
0x12: {  	_ =	swait.ge [sflag:s12], $0x80  }
0x13: {  	[sflag:s12] =	ssyncset.done $0x0  }
0x14: {  	[sflag:s12] =	ssyncadd.s32 $0xFFFFFF80  }
0x15: {  	[tilespmem:s3], [sflag:$0x2] =	stream.linear.gather [hbm4b:s7+s3], $0x800, $0x38;
	[tilespmem:$0x1D00] =	vst v63  }
0x16: {  	_ =	swait.ge [sflag:s12], $0x800  }
0x17: {  	[sflag:s12] =	ssyncset.done $0x0  }
0x18: {  	[sflag:s12] =	ssyncadd.s32 $0xFFFFF800  }
0x19: {  	[tilespmem:s13], [sflag:$0x2] =	stream.linear.gather [hbm4b:s8+s3], $0x10, $0x38;
	[tilespmem:$0x1D00] =	vst v63  }
0x1a: {  	_ =	swait.ge [sflag:s12], $0x10  }
0x1b: {  	[sflag:s12] =	ssyncset.done $0x0  }
0x1c: {  	[sflag:s12] =	ssyncadd.s32 $0xFFFFFFF0  }
0x1d: {  	[tilespmem:s14], [sflag:$0x2] =	stream.linear.gather [hbm4b:s9+s3], $0x10, $0x38;
	[tilespmem:$0x1D00] =	vst v63  }
0x1e: {  	_ =	swait.ge [sflag:s12], $0x10  }
0x1f: {  	[sflag:s12] =	ssyncset.done $0x0  }
0x20: {  	[sflag:s12] =	ssyncadd.s32 $0xFFFFFFF0  }
0x21: {  	[tilespmem:s16], [sflag:$0x1] =	stream.indirect.gather [hbm4b:s4+s15], $0x80, s14, s15, $0xb8;
	[tilespmem:$0x1D00] =	vst v63  }
0x22: {  	_ =	swait.ge [sflag:s17], $0x800  }
0x23: {  	[sflag:s17] =	ssyncset.done $0x0  }
0x24: {  	[sflag:s17] =	ssyncadd.s32 $0xFFFFF800  }
0x25: {  	v0 =	vld [tilespmem:$0x0]  }
0x26: {  	v1 =	vld [tilespmem:$0x900]  }
0x27: {  	v2 =	vld [tilespmem:$0x910]  }
0x28: {  	v3 =	vld [tilespmem:$0x920]  }
0x29: {  	v4 =	vld [tilespmem:$0x930]  }
0x2a: {  	v5 =	vld [tilespmem:$0x940]  }
0x2b: {  	v6 =	vld [tilespmem:$0x950]  }
0x2c: {  	v7 =	vld [tilespmem:$0x960]  }
0x2d: {  	v8 =	vld [tilespmem:$0x970]  }
0x2e: {  	v9 =	vld [tilespmem:$0x80]  }
0x2f: {  	v10 =	vld [tilespmem:$0x980]  }
0x30: {  	v11 =	vld [tilespmem:$0x990]  }
0x31: {  	v12 =	vld [tilespmem:$0x9A0]  }
0x32: {  	v13 =	vld [tilespmem:$0x9B0]  }
0x33: {  	v14 =	vld [tilespmem:$0x9C0]  }
0x34: {  	v15 =	vld [tilespmem:$0x9D0]  }
0x35: {  	v16 =	vld [tilespmem:$0x9E0]  }
0x36: {  	v17 =	vld [tilespmem:$0x9F0]  }
0x37: {  	v18 =	vld [tilespmem:$0x100]  }
0x38: {  	v19 =	vld [tilespmem:$0xA00]  }
0x39: {  	v20 =	vld [tilespmem:$0xA10]  }
0x3a: {  	v21 =	vld [tilespmem:$0xA20];
	v1 =	vmul.f32 v1, v0  }
0x3b: {  	v22 =	vld [tilespmem:$0xA30];
	v2 =	vmul.f32 v2, v0  }
0x3c: {  	v53 =	vld [tilespmem:$0xA40];
	v52 =	vmul.f32 v3, v0;
	[tilespmem:$0x1100] =	vst v1  }
0x3d: {  	v55 =	vld [tilespmem:$0xA50];
	v54 =	vmul.f32 v4, v0;
	[tilespmem:$0x1110] =	vst v2  }
0x3e: {  	v57 =	vld [tilespmem:$0xA60];
	v56 =	vmul.f32 v5, v0;
	[tilespmem:$0x1120] =	vst v52  }
0x3f: {  	v59 =	vld [tilespmem:$0xA70];
	v58 =	vmul.f32 v6, v0;
	[tilespmem:$0x1130] =	vst v54  }
0x40: {  	v61 =	vld [tilespmem:$0xA80];
	v60 =	vmul.f32 v7, v0;
	[tilespmem:$0x1140] =	vst v56  }
0x41: {  	v63 =	vld [tilespmem:$0xA90];
	v0 =	vmul.f32 v8, v0;
	[tilespmem:$0x1150] =	vst v58  }
0x42: {  	v25 =	vld [tilespmem:$0xAA0];
	v62 =	vmul.f32 v10, v9;
	[tilespmem:$0x1160] =	vst v60  }
0x43: {  	v27 =	vld [tilespmem:$0xAB0];
	v24 =	vmul.f32 v11, v9;
	[tilespmem:$0x1170] =	vst v0  }
0x44: {  	v29 =	vld [tilespmem:$0xAC0];
	v26 =	vmul.f32 v12, v9;
	[tilespmem:$0x1180] =	vst v62  }
0x45: {  	v31 =	vld [tilespmem:$0xAD0];
	v28 =	vmul.f32 v13, v9;
	[tilespmem:$0x1190] =	vst v24  }
0x46: {  	v33 =	vld [tilespmem:$0xAE0];
	v30 =	vmul.f32 v14, v9;
	[tilespmem:$0x11A0] =	vst v26  }
0x47: {  	v35 =	vld [tilespmem:$0xAF0];
	v32 =	vmul.f32 v15, v9;
	[tilespmem:$0x11B0] =	vst v28  }
0x48: {  	v38 =	vld [tilespmem:$0xB00];
	v34 =	vmul.f32 v16, v9;
	[tilespmem:$0x11C0] =	vst v30  }
0x49: {  	v40 =	vld [tilespmem:$0xB10];
	v36 =	vmul.f32 v17, v9;
	[tilespmem:$0x11D0] =	vst v32  }
0x4a: {  	v42 =	vld [tilespmem:$0xB20];
	v37 =	vmul.f32 v19, v18;
	[tilespmem:$0x11E0] =	vst v34  }
0x4b: {  	v44 =	vld [tilespmem:$0xB30];
	v39 =	vmul.f32 v20, v18;
	[tilespmem:$0x11F0] =	vst v36  }
0x4c: {  	v46 =	vld [tilespmem:$0xB40];
	v41 =	vmul.f32 v21, v18;
	[tilespmem:$0x1200] =	vst v37  }
0x4d: {  	v7 =	vld [tilespmem:$0x180];
	v43 =	vmul.f32 v22, v18;
	[tilespmem:$0x1210] =	vst v39  }
0x4e: {  	v48 =	vld [tilespmem:$0xB50];
	v45 =	vmul.f32 v53, v18;
	[tilespmem:$0x1220] =	vst v41  }
0x4f: {  	v50 =	vld [tilespmem:$0xB60];
	v47 =	vmul.f32 v55, v18;
	[tilespmem:$0x1230] =	vst v43  }
0x50: {  	v23 =	vld [tilespmem:$0xBE0];
	v49 =	vmul.f32 v57, v18;
	[tilespmem:$0x1240] =	vst v45  }
0x51: {  	v9 =	vld [tilespmem:$0x200];
	v51 =	vmul.f32 v59, v18;
	[tilespmem:$0x1250] =	vst v47  }
0x52: {  	v55 =	vld [tilespmem:$0xB80];
	[tilespmem:$0x1260] =	vst v49;
	v53 =	vmul.f32 v61, v7  }
0x53: {  	v57 =	vld [tilespmem:$0xB90];
	[tilespmem:$0x1270] =	vst v51;
	v54 =	vmul.f32 v63, v7  }
0x54: {  	v59 =	vld [tilespmem:$0xBA0];
	v56 =	vmul.f32 v25, v7;
	[tilespmem:$0x1280] =	vst v53  }
0x55: {  	v21 =	vld [tilespmem:$0xBD0];
	v58 =	vmul.f32 v27, v7;
	[tilespmem:$0x1290] =	vst v54  }
0x56: {  	v19 =	vld [tilespmem:$0xD00];
	v60 =	vmul.f32 v29, v7;
	[tilespmem:$0x12A0] =	vst v56  }
0x57: {  	v16 =	vld [tilespmem:$0xE50];
	v62 =	vmul.f32 v31, v7;
	[tilespmem:$0x12B0] =	vst v58  }
0x58: {  	v12 =	vld [tilespmem:$0xFA0];
	v18 =	vmul.f32 v33, v7;
	[tilespmem:$0x12C0] =	vst v60  }
0x59: {  	v14 =	vld [tilespmem:$0xFB0];
	v22 =	vmul.f32 v35, v7;
	[tilespmem:$0x12D0] =	vst v62  }
0x5a: {  	v52 =	vld [tilespmem:$0xB70];
	v24 =	vmul.f32 v38, v9;
	[tilespmem:$0x12E0] =	vst v18  }
0x5b: {  	v2 =	vld [tilespmem:$0x280];
	v26 =	vmul.f32 v40, v9;
	[tilespmem:$0x12F0] =	vst v22  }
0x5c: {  	v37 =	vld [tilespmem:$0xC40];
	v28 =	vmul.f32 v42, v9;
	[tilespmem:$0x1300] =	vst v24  }
0x5d: {  	v39 =	vld [tilespmem:$0xC50];
	v30 =	vmul.f32 v44, v9;
	[tilespmem:$0x1310] =	vst v26  }
0x5e: {  	v41 =	vld [tilespmem:$0xC60];
	v32 =	vmul.f32 v46, v9;
	[tilespmem:$0x1320] =	vst v28  }
0x5f: {  	v43 =	vld [tilespmem:$0xC70];
	v34 =	vmul.f32 v48, v9;
	[tilespmem:$0x1330] =	vst v30  }
0x60: {  	v45 =	vld [tilespmem:$0x380];
	v36 =	vmul.f32 v50, v9;
	[tilespmem:$0x1340] =	vst v32  }
0x61: {  	v47 =	vld [tilespmem:$0xC80];
	[tilespmem:$0x1350] =	vst v34;
	v38 =	vmul.f32 v52, v9  }
0x62: {  	v49 =	vld [tilespmem:$0xC90];
	[tilespmem:$0x1360] =	vst v36;
	v40 =	vmul.f32 v55, v2  }
0x63: {  	v51 =	vld [tilespmem:$0xCA0];
	v42 =	vmul.f32 v57, v2;
	[tilespmem:$0x1370] =	vst v38  }
0x64: {  	v61 =	vld [tilespmem:$0xBB0];
	v44 =	vmul.f32 v59, v2;
	[tilespmem:$0x1380] =	vst v40  }
0x65: {  	v63 =	vld [tilespmem:$0xBC0];
	v50 =	vmul.f32 v21, v2;
	[tilespmem:$0x1390] =	vst v42  }
0x66: {  	v25 =	vld [tilespmem:$0xBF0];
	v52 =	vmul.f32 v23, v2;
	[tilespmem:$0x13A0] =	vst v44  }
0x67: {  	v27 =	vld [tilespmem:$0x300];
	v26 =	vmul.f32 v47, v45;
	[tilespmem:$0x13D0] =	vst v50  }
0x68: {  	v29 =	vld [tilespmem:$0xC00];
	v28 =	vmul.f32 v49, v45;
	[tilespmem:$0x13E0] =	vst v52  }
0x69: {  	v31 =	vld [tilespmem:$0xC10];
	v30 =	vmul.f32 v51, v45;
	[tilespmem:$0x1480] =	vst v26  }
0x6a: {  	v33 =	vld [tilespmem:$0xC20];
	[tilespmem:$0x1490] =	vst v28;
	v46 =	vmul.f32 v61, v2  }
0x6b: {  	v35 =	vld [tilespmem:$0xC30];
	[tilespmem:$0x14A0] =	vst v30;
	v48 =	vmul.f32 v63, v2  }
0x6c: {  	v53 =	vld [tilespmem:$0xCB0];
	v54 =	vmul.f32 v25, v2;
	[tilespmem:$0x13B0] =	vst v46  }
0x6d: {  	v55 =	vld [tilespmem:$0xCC0];
	v56 =	vmul.f32 v29, v27;
	[tilespmem:$0x13C0] =	vst v48  }
0x6e: {  	v57 =	vld [tilespmem:$0xCD0];
	v58 =	vmul.f32 v31, v27;
	[tilespmem:$0x13F0] =	vst v54  }
0x6f: {  	v59 =	vld [tilespmem:$0xCE0];
	v60 =	vmul.f32 v33, v27;
	[tilespmem:$0x1400] =	vst v56  }
0x70: {  	v21 =	vld [tilespmem:$0xD10];
	v62 =	vmul.f32 v35, v27;
	[tilespmem:$0x1410] =	vst v58  }
0x71: {  	v23 =	vld [tilespmem:$0xD20];
	v18 =	vmul.f32 v37, v27;
	[tilespmem:$0x1420] =	vst v60  }
0x72: {  	v47 =	vld [tilespmem:$0xDD0];
	v20 =	vmul.f32 v39, v27;
	[tilespmem:$0x1430] =	vst v62  }
0x73: {  	v49 =	vld [tilespmem:$0xDE0];
	v22 =	vmul.f32 v41, v27;
	[tilespmem:$0x1440] =	vst v18  }
0x74: {  	v61 =	vld [tilespmem:$0xCF0];
	v24 =	vmul.f32 v43, v27;
	[tilespmem:$0x1450] =	vst v20  }
0x75: {  	v63 =	vld [tilespmem:$0x400];
	[tilespmem:$0x1460] =	vst v22;
	v32 =	vmul.f32 v53, v45  }
0x76: {  	v51 =	vld [tilespmem:$0xDF0];
	[tilespmem:$0x1470] =	vst v24;
	v34 =	vmul.f32 v55, v45  }
0x77: {  	v25 =	vld [tilespmem:$0xD30];
	v36 =	vmul.f32 v57, v45;
	[tilespmem:$0x14B0] =	vst v32  }
0x78: {  	v27 =	vld [tilespmem:$0xD40];
	v38 =	vmul.f32 v59, v45;
	[tilespmem:$0x14C0] =	vst v34  }
0x79: {  	v29 =	vld [tilespmem:$0xD50];
	[tilespmem:$0x14D0] =	vst v36;
	v40 =	vmul.f32 v61, v45  }
0x7a: {  	v31 =	vld [tilespmem:$0xD60];
	[tilespmem:$0x14E0] =	vst v38;
	v42 =	vmul.f32 v19, v63  }
0x7b: {  	v33 =	vld [tilespmem:$0xD70];
	v44 =	vmul.f32 v21, v63;
	[tilespmem:$0x14F0] =	vst v40  }
0x7c: {  	v35 =	vld [tilespmem:$0x480];
	v46 =	vmul.f32 v23, v63;
	[tilespmem:$0x1500] =	vst v42  }
0x7d: {  	v37 =	vld [tilespmem:$0xD80];
	v48 =	vmul.f32 v25, v63;
	[tilespmem:$0x1510] =	vst v44  }
0x7e: {  	v39 =	vld [tilespmem:$0xD90];
	v50 =	vmul.f32 v27, v63;
	[tilespmem:$0x1520] =	vst v46  }
0x7f: {  	v41 =	vld [tilespmem:$0xDA0];
	v52 =	vmul.f32 v29, v63;
	[tilespmem:$0x1530] =	vst v48  }
0x80: {  	v43 =	vld [tilespmem:$0xDB0];
	v54 =	vmul.f32 v31, v63;
	[tilespmem:$0x1540] =	vst v50  }
0x81: {  	v26 =	vld [tilespmem:$0xE90];
	v56 =	vmul.f32 v33, v63;
	[tilespmem:$0x1550] =	vst v52  }
0x82: {  	v53 =	vld [tilespmem:$0x500];
	v58 =	vmul.f32 v37, v35;
	[tilespmem:$0x1560] =	vst v54  }
0x83: {  	v55 =	vld [tilespmem:$0xE00];
	v60 =	vmul.f32 v39, v35;
	[tilespmem:$0x1570] =	vst v56  }
0x84: {  	v57 =	vld [tilespmem:$0xE10];
	v62 =	vmul.f32 v41, v35;
	[tilespmem:$0x1580] =	vst v58  }
0x85: {  	v59 =	vld [tilespmem:$0xE20];
	v15 =	vmul.f32 v43, v35;
	[tilespmem:$0x1590] =	vst v60  }
0x86: {  	v18 =	vld [tilespmem:$0xE60];
	v19 =	vmul.f32 v47, v35;
	[tilespmem:$0x15A0] =	vst v62  }
0x87: {  	v20 =	vld [tilespmem:$0xE70];
	v21 =	vmul.f32 v49, v35;
	[tilespmem:$0x15B0] =	vst v15  }
0x88: {  	v22 =	vld [tilespmem:$0x580];
	v23 =	vmul.f32 v51, v35;
	[tilespmem:$0x15D0] =	vst v19  }
0x89: {  	v24 =	vld [tilespmem:$0xE80];
	[tilespmem:$0x15E0] =	vst v21;
	v25 =	vmul.f32 v55, v53  }
0x8a: {  	v28 =	vld [tilespmem:$0xEA0];
	[tilespmem:$0x15F0] =	vst v23;
	v27 =	vmul.f32 v57, v53  }
0x8b: {  	v30 =	vld [tilespmem:$0xEB0];
	v29 =	vmul.f32 v59, v53;
	[tilespmem:$0x1600] =	vst v25  }
0x8c: {  	v32 =	vld [tilespmem:$0xEC0];
	v37 =	vmul.f32 v18, v53;
	[tilespmem:$0x1610] =	vst v27  }
0x8d: {  	v34 =	vld [tilespmem:$0xED0];
	v39 =	vmul.f32 v20, v53;
	[tilespmem:$0x1620] =	vst v29  }
0x8e: {  	v38 =	vld [tilespmem:$0xEF0];
	v41 =	vmul.f32 v24, v22;
	[tilespmem:$0x1660] =	vst v37  }
0x8f: {  	v45 =	vld [tilespmem:$0xDC0];
	v43 =	vmul.f32 v26, v22;
	[tilespmem:$0x1670] =	vst v39  }
0x90: {  	v61 =	vld [tilespmem:$0xE30];
	v47 =	vmul.f32 v30, v22;
	[tilespmem:$0x1680] =	vst v41  }
0x91: {  	v63 =	vld [tilespmem:$0xE40];
	[tilespmem:$0x1690] =	vst v43;
	v49 =	vmul.f32 v32, v22  }
0x92: {  	v36 =	vld [tilespmem:$0xEE0];
	[tilespmem:$0x16B0] =	vst v47;
	v51 =	vmul.f32 v34, v22  }
0x93: {  	v40 =	vld [tilespmem:$0x600];
	v55 =	vmul.f32 v38, v22;
	[tilespmem:$0x16C0] =	vst v49  }
0x94: {  	v42 =	vld [tilespmem:$0xF00];
	v17 =	vmul.f32 v45, v35;
	[tilespmem:$0x16D0] =	vst v51  }
0x95: {  	v44 =	vld [tilespmem:$0xF10];
	v31 =	vmul.f32 v61, v53;
	[tilespmem:$0x16F0] =	vst v55  }
0x96: {  	v46 =	vld [tilespmem:$0xF20];
	v33 =	vmul.f32 v63, v53;
	[tilespmem:$0x15C0] =	vst v17  }
0x97: {  	v48 =	vld [tilespmem:$0xF30];
	v35 =	vmul.f32 v16, v53;
	[tilespmem:$0x1630] =	vst v31  }
0x98: {  	v50 =	vld [tilespmem:$0xF40];
	v45 =	vmul.f32 v28, v22;
	[tilespmem:$0x1640] =	vst v33  }
0x99: {  	v52 =	vld [tilespmem:$0xF50];
	v53 =	vmul.f32 v36, v22;
	[tilespmem:$0x1650] =	vst v35  }
0x9a: {  	v54 =	vld [tilespmem:$0xF60];
	[tilespmem:$0x16A0] =	vst v45;
	v57 =	vmul.f32 v42, v40  }
0x9b: {  	v56 =	vld [tilespmem:$0xF70];
	[tilespmem:$0x16E0] =	vst v53;
	v59 =	vmul.f32 v44, v40  }
0x9c: {  	v58 =	vld [tilespmem:$0x680];
	v61 =	vmul.f32 v46, v40;
	[tilespmem:$0x1700] =	vst v57  }
0x9d: {  	v60 =	vld [tilespmem:$0xF80];
	v63 =	vmul.f32 v48, v40;
	[tilespmem:$0x1710] =	vst v59  }
0x9e: {  	v62 =	vld [tilespmem:$0xF90];
	v13 =	vmul.f32 v50, v40;
	[tilespmem:$0x1720] =	vst v61  }
0x9f: {  	v18 =	vld [tilespmem:$0xFD0];
	v15 =	vmul.f32 v52, v40;
	[tilespmem:$0x1730] =	vst v63  }
0xa0: {  	v20 =	vld [tilespmem:$0xFE0];
	v17 =	vmul.f32 v54, v40;
	[tilespmem:$0x1740] =	vst v13  }
0xa1: {  	v24 =	vld [tilespmem:$0x700];
	v19 =	vmul.f32 v56, v40;
	[tilespmem:$0x1750] =	vst v15  }
0xa2: {  	v26 =	vld [tilespmem:$0x1000];
	v21 =	vmul.f32 v60, v58;
	[tilespmem:$0x1760] =	vst v17  }
0xa3: {  	v30 =	vld [tilespmem:$0x1020];
	v23 =	vmul.f32 v62, v58;
	[tilespmem:$0x1770] =	vst v19  }
0xa4: {  	v32 =	vld [tilespmem:$0x1030];
	v25 =	vmul.f32 v12, v58;
	[tilespmem:$0x1780] =	vst v21  }
0xa5: {  	v34 =	vld [tilespmem:$0x1040];
	v27 =	vmul.f32 v14, v58;
	[tilespmem:$0x1790] =	vst v23  }
0xa6: {  	v38 =	vld [tilespmem:$0x1060];
	v31 =	vmul.f32 v18, v58;
	[tilespmem:$0x17A0] =	vst v25  }
0xa7: {  	v16 =	vld [tilespmem:$0xFC0];
	v33 =	vmul.f32 v20, v58;
	[tilespmem:$0x17B0] =	vst v27  }
0xa8: {  	v22 =	vld [tilespmem:$0xFF0];
	v37 =	vmul.f32 v26, v24;
	[tilespmem:$0x17D0] =	vst v31  }
0xa9: {  	v28 =	vld [tilespmem:$0x1010];
	v41 =	vmul.f32 v30, v24;
	[tilespmem:$0x17E0] =	vst v33  }
0xaa: {  	v36 =	vld [tilespmem:$0x1050];
	[tilespmem:$0x1800] =	vst v37;
	v43 =	vmul.f32 v32, v24  }
0xab: {  	v40 =	vld [tilespmem:$0x1070];
	[tilespmem:$0x1820] =	vst v41;
	v45 =	vmul.f32 v34, v24  }
0xac: {  	v42 =	vld [tilespmem:$0x780];
	v49 =	vmul.f32 v38, v24;
	[tilespmem:$0x1830] =	vst v43  }
0xad: {  	v44 =	vld [tilespmem:$0x1080];
	v29 =	vmul.f32 v16, v58;
	[tilespmem:$0x1840] =	vst v45  }
0xae: {  	v46 =	vld [tilespmem:$0x1090];
	v35 =	vmul.f32 v22, v58;
	[tilespmem:$0x1860] =	vst v49  }
0xaf: {  	v48 =	vld [tilespmem:$0x10A0];
	v39 =	vmul.f32 v28, v24;
	[tilespmem:$0x17C0] =	vst v29  }
0xb0: {  	v50 =	vld [tilespmem:$0x10B0];
	v47 =	vmul.f32 v36, v24;
	[tilespmem:$0x17F0] =	vst v35  }
0xb1: {  	v52 =	vld [tilespmem:$0x10C0];
	[tilespmem:$0x1810] =	vst v39;
	v51 =	vmul.f32 v40, v24  }
0xb2: {  	v54 =	vld [tilespmem:$0x10D0];
	[tilespmem:$0x1850] =	vst v47;
	v53 =	vmul.f32 v44, v42  }
0xb3: {  	v56 =	vld [tilespmem:$0x10E0];
	v55 =	vmul.f32 v46, v42;
	[tilespmem:$0x1870] =	vst v51  }
0xb4: {  	v58 =	vld [tilespmem:$0x10F0];
	v57 =	vmul.f32 v48, v42;
	[tilespmem:$0x1880] =	vst v53  }
0xb5: {  	v59 =	vmul.f32 v50, v42;
	[tilespmem:$0x1890] =	vst v55  }
0xb6: {  	v60 =	vmul.f32 v52, v42;
	[tilespmem:$0x18A0] =	vst v57  }
0xb7: {  	v61 =	vmul.f32 v54, v42;
	[tilespmem:$0x18B0] =	vst v59  }
0xb8: {  	v62 =	vmul.f32 v56, v42;
	[tilespmem:$0x18C0] =	vst v60  }
0xb9: {  	[tilespmem:$0x18D0] =	vst v61;
	v63 =	vmul.f32 v58, v42  }
0xba: {  	[tilespmem:$0x18E0] =	vst v62  }
0xbb: {  	[tilespmem:$0x18F0] =	vst v63  }
0xbc: {  	[bflag:$0x0] =	sbarrier.arrive $0xFFFF  }
0xbd: {  	[spmem:s2] =	stream.indirect.scatter.add.f32 [tilespmem:s18], [sflag:$0x2], $0x80, s13, s15, $0xb8;
	[tilespmem:$0x1D00] =	vst v63  }
0xbe: {  	_ =	swait.ge [sflag:s12], $0x800  }
0xbf: {  	[sflag:s12] =	ssyncset.done $0x0  }
0xc0: {  	p0 =	sne.s32 s10, $0x1;
	[sflag:s12] =	ssyncadd.s32 $0xFFFFF800  }
.Ltmp0:
0xc1: {  	[bflag:$0x0] =	sbarrier.arrive $0xFFFF;
	(pc) =	sbr.rel @p0 .LBB2_1-.Ltmp0, $4  }
0xc2: {  	[hbm:s19], [sflag:s6] =	dma.local [spmem:s11], $0x80  }
0xc3: {  	_ =	swait.ge [sflag:s12], $0x80  }
0xc4: {  	[sflag:s12] =	ssyncset.done $0x0  }
0xc5: {  	s10 =	sadd.s32 $0xFFFFFFFF, s10;
	[sflag:s12] =	ssyncadd.s32 $0xFFFFFF80  }
0xc6: {  	_ =	sfence.sel $0x180000  }
0xc7: {  	[bflag:$0x0] =	sbarrier.arrive $0xFFFF  }
0xc8: {  	p0 =	sne.s32 s1, $0x0;
	_ =	strace $0x90000047  }
0xc9: {  	s0 =	sadd.s32 @!p0 $0x100000, s0;
	[bflag:$0x2] =	sbarrier.arrive $0xFFFF  }
0xca: {  	[sflag:s0] =	ssyncadd.tile.s32 @!p0 $0x1;
	_ =	shalt  }
.Lfunc_end2:
_tile_overlayer_lowered:
.L_overlay_start_2:
0xcb: {  	(tag) =	ssettag $0x2  }
0xcc: {  	s0 =	rddreg [dreg:$0x0];
	s2 =	stileid.u32  }
0xcd: {  	s1 =	rddreg [dreg:$0x1];
	p0 =	sne.s32 s2, $0x0  }
0xce: {  	s3 =	rddreg [dreg:$0x2];
	[bflag:$0x3] =	sbarrier.arrive $0xFFFF;
	s2 =	simm.s32 @!p0 $0x1C02  }
0xcf: {  	[timem:s3], [sflag:s2] =	dma.local @!p0 [hbm:s0], s1  }
0xd0: {  	s0 =	simm.s32 @!p0 $0x2  }
0xd1: {  	_ =	swait.ge @!p0 [sflag:s0], s1  }
0xd2: {  	s1 =	ssub.s32 @!p0 $0x0, s1;
	[sflag:s0] =	ssyncset.done @!p0 $0x0  }
0xd3: {  	[sflag:s0] =	ssyncadd.s32 @!p0 s1  }
0xd4: {  	[bflag:$0x3] =	sbarrier.arrive $0xFFFF  }
0xd5: {  	_ =	shalt  }

</sc_bundles>
